<compile_context>
chip_gen: v7x
topology: tpu7x:2x2x1
jax: 0.10.2.dev20260603
libtpu: 0.0.44.dev20260713+nightly
codegen_flags: <defaults>
</compile_context>

<pallas_src>
import functools

import jax
import jax.numpy as jnp
from jax import lax
from jax.experimental import pallas as pl
from jax.experimental.pallas import tpu as pltpu
from jax.experimental.pallas import tpu_sc as plsc

L = 65536
F = 512
NC = 2
NS = 16
NW = NC * NS
LANES = 16
CHUNK = L // NW
UNROLL = 8
SPAN = LANES * UNROLL
OUTER = CHUNK // SPAN

_mesh = plsc.VectorSubcoreMesh(core_axis_name="c", subcore_axis_name="s")


@functools.partial(
    pl.kernel,
    out_type=(
        jax.ShapeDtypeStruct((NW, F), jnp.float32),
        jax.ShapeDtypeStruct((NW, LANES), jnp.float32),
    ),
    mesh=_mesh,
    scratch_types=(
        pltpu.VMEM((CHUNK,), jnp.float32),
        pltpu.VMEM((LANES,), jnp.float32),
        pltpu.VMEM((LANES,), jnp.int32),
        pltpu.VMEM((1, F), jnp.float32),
        pltpu.SemaphoreType.DMA,
    ),
)
def _sc_argmax_rows(idx_hbm, mem_hbm, row_out, vmax_out,
                    chunk_v, stage_f, stage_i, row1_v, sem):
    c = lax.axis_index("c")
    s = lax.axis_index("s")
    w = s * NC + c
    base = pl.multiple_of(w * CHUNK, CHUNK)
    pltpu.sync_copy(idx_hbm.at[pl.ds(base, CHUNK)], chunk_v)

    lane = lax.iota(jnp.int32, LANES)
    neg = jnp.full((LANES,), -jnp.inf, jnp.float32)

    @pl.when(w == 0)
    def _():
        v0 = chunk_v[pl.ds(0, LANES)]
        chunk_v[pl.ds(0, LANES)] = jnp.where(lane == 0, neg, v0)

    lane_js = [jnp.full((LANES,), j * LANES, jnp.int32) + lane for j in range(UNROLL)]
    init_v = tuple(neg for _ in range(UNROLL))
    init_i = tuple(jnp.full((LANES,), -1, jnp.int32) for _ in range(UNROLL))

    def body(t, carry):
        vs = list(carry[:UNROLL])
        ps = list(carry[UNROLL:])
        tb = base + t * SPAN
        for j in range(UNROLL):
            off = pl.multiple_of(t * SPAN + j * LANES, LANES)
            v = chunk_v[pl.ds(off, LANES)]
            pos = tb + lane_js[j]
            upd = v >= vs[j]
            vs[j] = jnp.where(upd, v, vs[j])
            ps[j] = jnp.where(upd, pos, ps[j])
        return tuple(vs) + tuple(ps)

    acc = lax.fori_loop(0, OUTER, body, init_v + init_i)
    cur_v = acc[0]
    cur_i = acc[UNROLL]
    for j in range(1, UNROLL):
        vj = acc[j]
        ij = acc[UNROLL + j]
        upd = (vj > cur_v) | ((vj == cur_v) & (ij > cur_i))
        cur_v = jnp.where(upd, vj, cur_v)
        cur_i = jnp.where(upd, ij, cur_i)

    wv = cur_v[0]
    wi = cur_i[0]
    for l in range(1, LANES):
        vl = cur_v[l]
        il = cur_i[l]
        upd = (vl > wv) | ((vl == wv) & (il > wi))
        wv = jnp.where(upd, vl, wv)
        wi = jnp.where(upd, il, wi)

    stage_i[...] = jnp.full((LANES,), wi, jnp.int32)
    gather = pltpu.async_copy(mem_hbm.at[stage_i.at[pl.ds(0, 1)]], row1_v, sem)
    stage_f[...] = jnp.full((LANES,), wv, jnp.float32)
    pltpu.sync_copy(stage_f, vmax_out.at[w])
    gather.wait()
    pltpu.sync_copy(row1_v.at[0], row_out.at[w])


def _tc_priority_body(x_ref, out_pri_ref):
    xv = x_ref[...]
    mx = jnp.max(xv)
    lse = jnp.log(jnp.sum(jnp.exp(xv - mx))) + mx
    pri = -jnp.sum(xv * (xv - lse))
    out_pri_ref[...] = jnp.full((1, 1), pri, jnp.float32)


_tc_priority = pl.pallas_call(
    _tc_priority_body,
    out_shape=jax.ShapeDtypeStruct((1, 1), jnp.float32),
)


def _tc_select_body(x_ref, pri_ref, rows_ref, vmax_ref, out_row_ref):
    pri = pri_ref[0, 0]
    vcol = vmax_ref[:, 0:1]
    gv = jnp.max(vcol)
    wid = lax.broadcasted_iota(jnp.int32, (NW, 1), 0)
    gw = jnp.max(jnp.where(vcol == gv, wid, -1))
    hit = wid == gw
    rows = rows_ref[...]
    rowbest = jnp.sum(jnp.where(hit, rows, 0.0), axis=0, keepdims=True)
    use_x = jnp.full((1, F), pri >= gv)
    out_row_ref[...] = jnp.where(use_x, x_ref[...], rowbest)


_tc_select = pl.pallas_call(
    _tc_select_body,
    out_shape=jax.ShapeDtypeStruct((1, F), jnp.float32),
)


def kernel(x, space, memory, index):
    idx_flat = index.reshape(L)
    mem2d = memory.reshape(L, F)
    pri = _tc_priority(x)
    rows, vmaxs = _sc_argmax_rows(idx_flat, mem2d)
    out_row = _tc_select(x, pri, rows, vmaxs)
    return out_row, pri

# --- scband reference (transcript-rebuilt; emitter-appended) ---
"""Pipeline reference for scband-queue-memory-17136919511458 (READ-ONLY COPY).

The authoritative reference and input builder live on the scoring server;
editing this copy changes nothing except your own understanding.
"""

import jax, jax.numpy as jnp
import numpy as np

BATCH = 1
MEMORY_LEN = 65536
FEATURE_DIM = 512
SPACE_DIM = 64


def _softmax_xent(logits, labels):
    # tf.nn.softmax_cross_entropy_with_logits(labels, logits), reduced over last axis
    log_sm = jax.nn.log_softmax(logits, axis=-1)
    return -jnp.sum(labels * log_sm, axis=-1)


def setup_inputs(seed: int = 0) -> dict:
    key = jax.random.key(seed)
    k1, k2, k3, k4 = jax.random.split(key, 4)
    x = jax.random.normal(k1, (BATCH, FEATURE_DIM), dtype=jnp.float32)
    space = jax.random.normal(k2, (BATCH, SPACE_DIM), dtype=jnp.float32)
    # Stateful (non-trainable) weights of the layer, materialized as inputs.
    memory = jax.random.normal(k3, (BATCH, MEMORY_LEN, FEATURE_DIM), dtype=jnp.float32)
    index = jax.random.uniform(k4, (BATCH, MEMORY_LEN, 1), dtype=jnp.float32)
    return {"x": x, "space": space, "memory": memory, "index": index}


def reference(x, space, memory, index):
    # priority = softmax_cross_entropy_with_logits(labels=x, logits=x) -> (B,)
    priority = _softmax_xent(x, x)
    # push newest element onto the queue
    new_memory = jnp.concatenate([memory, x[:, None, :]], axis=1)        # (B, L+1, F)
    new_priority = jnp.concatenate([index, priority[:, None, None]], axis=1)  # (B, L+1, 1)
    # tf.slice starting at timestep 1, keeping memory_len entries (drop oldest)
    new_memory = new_memory[:, 1:, :]      # (B, L, F)
    new_priority = new_priority[:, 1:, :]  # (B, L, 1)
    # reshape priorities to (memory_len,) -- only valid for batch==1, as in the original
    idxs = jnp.reshape(new_priority, (new_priority.shape[1],))
    order = jnp.argsort(idxs)  # ascending
    # faithful to original: tf.sort along axis=-1 (size-1 axis => no-op)
    new_priority = jnp.sort(new_priority, axis=-1)
    # permute the memory rows by ascending priority (134MB gather)
    new_memory = jnp.take(new_memory, order, axis=1)
    # layer returns (updated_memory[:, -1, :], updated_index[:, -1, :])
    return new_memory[:, -1, :], new_priority[:, -1, :]

if __name__ == "__main__":
    import jax
    _d = setup_inputs()
    print(jax.jit(kernel)(*tuple(_d.values())))

</pallas_src>

<mosaic_0001>
#map = affine_map<(d0, d1) -> (0)>
#map1 = affine_map<(d0, d1) -> (0, 0)>
module attributes {stable_mosaic.version = 14 : i64} {
  func.func @_sc_argmax_rows(%arg0: i32, %arg1: i32, %arg2: memref<65536xf32, #tpu.memory_space<hbm>>, %arg3: memref<65536x512xf32, #tpu.memory_space<hbm>>, %arg4: memref<32x512xf32, #tpu.memory_space<hbm>>, %arg5: memref<32x16xf32, #tpu.memory_space<hbm>>, %arg6: memref<2048xf32, #tpu.memory_space<vmem>>, %arg7: memref<16xf32, #tpu.memory_space<vmem>>, %arg8: memref<16xi32, #tpu.memory_space<vmem>>, %arg9: memref<1x512xf32, #tpu.memory_space<vmem>>, %arg10: memref<!tpu.dma_semaphore, #tpu.memory_space<semaphore_mem>>) attributes {dimension_semantics = [#tpu.dimension_semantics<core_parallel>, #tpu.dimension_semantics<subcore_parallel>], iteration_bounds = array<i64: 2, 16>, scalar_prefetch = 0 : i64, scratch_operands = 5 : i64, tpu.core_type = #tpu.core_type<sc_vector_subcore>, window_params = [{transform_indices = #map}, {transform_indices = #map1}, {transform_indices = #map1}, {transform_indices = #map1}]} {
    %mul3A = arith.constant 2 : i32
    %mul3A_0 = arith.muli %arg1, %mul3A : i32
    %add3A = arith.addi %mul3A_0, %arg0 : i32
    %mul3A_1 = arith.constant 2048 : i32
    %mul3A_2 = arith.muli %add3A, %mul3A_1 : i32
    %multiple_of3A = tpu.assume_multiple %mul3A_2, 2048 : i32
    "tpu.region"() ({
      %run_scoped3A_280 = tpu.sem_alloc : memref<!tpu.dma_semaphore, #tpu.memory_space<semaphore_mem>>
      %dma_start3A_281 = tpu.memref_slice %arg2[%multiple_of3A] : memref<65536xf32, #tpu.memory_space<hbm>> -> memref<2048xf32, #tpu.memory_space<hbm>>
      %dma_start3A_282 = tpu.memref_slice %arg2[%multiple_of3A] : memref<65536xf32, #tpu.memory_space<hbm>> -> memref<2048xf32, #tpu.memory_space<hbm>>
      tpu.enqueue_dma source(%dma_start3A_282 : memref<2048xf32, #tpu.memory_space<hbm>>) target(%arg6 : memref<2048xf32, #tpu.memory_space<vmem>>) target_semaphore(%run_scoped3A_280 : memref<!tpu.dma_semaphore, #tpu.memory_space<semaphore_mem>>)
      %dma_wait3A_283 = tpu.memref_slice %arg2[%multiple_of3A] : memref<65536xf32, #tpu.memory_space<hbm>> -> memref<2048xf32, #tpu.memory_space<hbm>>
      %dma_wait3A_284 = tpu.memref_slice %arg2[%multiple_of3A] : memref<65536xf32, #tpu.memory_space<hbm>> -> memref<2048xf32, #tpu.memory_space<hbm>>
      tpu.wait_dma2 semaphore(%run_scoped3A_280 : memref<!tpu.dma_semaphore, #tpu.memory_space<semaphore_mem>>) src(%dma_wait3A_284 : memref<2048xf32, #tpu.memory_space<hbm>>) dst(%arg6 : memref<2048xf32, #tpu.memory_space<vmem>>)
      tpu.yield
    }) : () -> ()
    %iota3A = tpu.iota {dimensions = array<i32: 0>} : vector<16xi32>
    %broadcast_in_dim3A = arith.constant 0xFF800000 : f32
    %broadcast_in_dim3A_3 = vector.broadcast %broadcast_in_dim3A : f32 to vector<16xf32>
    %eq3A = arith.constant 0 : i32
    %eq3A_4 = arith.cmpi eq, %add3A, %eq3A : i32
    %convert_element_type3A = arith.extui %eq3A_4 : i1 to i32
    %cond3A = arith.constant 0 : i32
    %cond3A_5 = arith.cmpi ne, %convert_element_type3A, %cond3A : i32
    scf.if %cond3A_5 {
      %get3A = arith.constant 0 : index
      %get3A_280 = tpu.vector_load %arg6[%get3A] {strides = array<i32>} : memref<2048xf32, #tpu.memory_space<vmem>>, vector<16xf32>,
      %get3A_281 = vector.shape_cast %get3A_280 : vector<16xf32> to vector<16xf32>
      %eq3A_282 = arith.constant 0 : i32
      %eq3A_283 = vector.broadcast %eq3A_282 : i32 to vector<16xi32>
      %eq3A_284 = arith.cmpi eq, %iota3A, %eq3A_283 : vector<16xi32>
      %select_n3A_285 = arith.select %eq3A_284, %broadcast_in_dim3A_3, %get3A_281 : vector<16xi1>, vector<16xf32>
      %swap3A_286 = arith.constant 0 : index
      %swap3A_287 = tpu.vector_load %arg6[%swap3A_286] {strides = array<i32>} : memref<2048xf32, #tpu.memory_space<vmem>>, vector<16xf32>,
      %swap3A_288 = vector.shape_cast %swap3A_287 : vector<16xf32> to vector<16xf32>
      %swap3A_289 = vector.shape_cast %select_n3A_285 : vector<16xf32> to vector<16xf32>
      tpu.vector_store %arg6[%swap3A_286], %swap3A_289 {strides = array<i32>} : memref<2048xf32, #tpu.memory_space<vmem>>, vector<16xf32>,
    } else {
    }
    %broadcast_in_dim3A_6 = arith.constant 0 : i32
    %broadcast_in_dim3A_7 = vector.broadcast %broadcast_in_dim3A_6 : i32 to vector<16xi32>
    %add3A_8 = arith.addi %broadcast_in_dim3A_7, %iota3A : vector<16xi32>
    %broadcast_in_dim3A_9 = arith.constant 16 : i32
    %broadcast_in_dim3A_10 = vector.broadcast %broadcast_in_dim3A_9 : i32 to vector<16xi32>
    %add3A_11 = arith.addi %broadcast_in_dim3A_10, %iota3A : vector<16xi32>
    %broadcast_in_dim3A_12 = arith.constant 32 : i32
    %broadcast_in_dim3A_13 = vector.broadcast %broadcast_in_dim3A_12 : i32 to vector<16xi32>
    %add3A_14 = arith.addi %broadcast_in_dim3A_13, %iota3A : vector<16xi32>
    %broadcast_in_dim3A_15 = arith.constant 48 : i32
    %broadcast_in_dim3A_16 = vector.broadcast %broadcast_in_dim3A_15 : i32 to vector<16xi32>
    %add3A_17 = arith.addi %broadcast_in_dim3A_16, %iota3A : vector<16xi32>
    %broadcast_in_dim3A_18 = arith.constant 64 : i32
    %broadcast_in_dim3A_19 = vector.broadcast %broadcast_in_dim3A_18 : i32 to vector<16xi32>
    %add3A_20 = arith.addi %broadcast_in_dim3A_19, %iota3A : vector<16xi32>
    %broadcast_in_dim3A_21 = arith.constant 80 : i32
    %broadcast_in_dim3A_22 = vector.broadcast %broadcast_in_dim3A_21 : i32 to vector<16xi32>
    %add3A_23 = arith.addi %broadcast_in_dim3A_22, %iota3A : vector<16xi32>
    %broadcast_in_dim3A_24 = arith.constant 96 : i32
    %broadcast_in_dim3A_25 = vector.broadcast %broadcast_in_dim3A_24 : i32 to vector<16xi32>
    %add3A_26 = arith.addi %broadcast_in_dim3A_25, %iota3A : vector<16xi32>
    %broadcast_in_dim3A_27 = arith.constant 112 : i32
    %broadcast_in_dim3A_28 = vector.broadcast %broadcast_in_dim3A_27 : i32 to vector<16xi32>
    %add3A_29 = arith.addi %broadcast_in_dim3A_28, %iota3A : vector<16xi32>
    %broadcast_in_dim3A_30 = arith.constant -1 : i32
    %broadcast_in_dim3A_31 = vector.broadcast %broadcast_in_dim3A_30 : i32 to vector<16xi32>
    %broadcast_in_dim3A_32 = arith.constant -1 : i32
    %broadcast_in_dim3A_33 = vector.broadcast %broadcast_in_dim3A_32 : i32 to vector<16xi32>
    %broadcast_in_dim3A_34 = arith.constant -1 : i32
    %broadcast_in_dim3A_35 = vector.broadcast %broadcast_in_dim3A_34 : i32 to vector<16xi32>
    %broadcast_in_dim3A_36 = arith.constant -1 : i32
    %broadcast_in_dim3A_37 = vector.broadcast %broadcast_in_dim3A_36 : i32 to vector<16xi32>
    %broadcast_in_dim3A_38 = arith.constant -1 : i32
    %broadcast_in_dim3A_39 = vector.broadcast %broadcast_in_dim3A_38 : i32 to vector<16xi32>
    %broadcast_in_dim3A_40 = arith.constant -1 : i32
    %broadcast_in_dim3A_41 = vector.broadcast %broadcast_in_dim3A_40 : i32 to vector<16xi32>
    %broadcast_in_dim3A_42 = arith.constant -1 : i32
    %broadcast_in_dim3A_43 = vector.broadcast %broadcast_in_dim3A_42 : i32 to vector<16xi32>
    %broadcast_in_dim3A_44 = arith.constant -1 : i32
    %broadcast_in_dim3A_45 = vector.broadcast %broadcast_in_dim3A_44 : i32 to vector<16xi32>
    %scan3A = arith.constant 0 : i32
    %scan3A_46 = arith.constant 16 : i32
    %scan3A_47 = arith.addi %scan3A, %scan3A_46 : i32
    %scan3A_48 = arith.constant 1 : i32
    %scan3A_49:16 = scf.for %scan3A_280 = %scan3A to %scan3A_47 step %scan3A_48 iter_args(%scan3A_281 = %broadcast_in_dim3A_3, %scan3A_282 = %broadcast_in_dim3A_3, %scan3A_283 = %broadcast_in_dim3A_3, %scan3A_284 = %broadcast_in_dim3A_3, %scan3A_285 = %broadcast_in_dim3A_3, %scan3A_286 = %broadcast_in_dim3A_3, %scan3A_287 = %broadcast_in_dim3A_3, %scan3A_288 = %broadcast_in_dim3A_3, %scan3A_289 = %broadcast_in_dim3A_31, %scan3A_290 = %broadcast_in_dim3A_33, %scan3A_291 = %broadcast_in_dim3A_35, %scan3A_292 = %broadcast_in_dim3A_37, %scan3A_293 = %broadcast_in_dim3A_39, %scan3A_294 = %broadcast_in_dim3A_41, %scan3A_295 = %broadcast_in_dim3A_43, %scan3A_296 = %broadcast_in_dim3A_45) -> (vector<16xf32>, vector<16xf32>, vector<16xf32>, vector<16xf32>, vector<16xf32>, vector<16xf32>, vector<16xf32>, vector<16xf32>, vector<16xi32>, vector<16xi32>, vector<16xi32>, vector<16xi32>, vector<16xi32>, vector<16xi32>, vector<16xi32>, vector<16xi32>)  : i32 {
      %mul3A_297 = arith.constant 128 : i32
      %mul3A_298 = arith.muli %scan3A_280, %mul3A_297 : i32
      %add3A_299 = arith.addi %multiple_of3A, %mul3A_298 : i32
      %mul3A_300 = arith.constant 128 : i32
      %mul3A_301 = arith.muli %scan3A_280, %mul3A_300 : i32
      %add3A_302 = arith.constant 0 : i32
      %add3A_303 = arith.addi %mul3A_301, %add3A_302 : i32
      %multiple_of3A_304 = tpu.assume_multiple %add3A_303, 16 : i32
      %get3A = arith.index_cast %multiple_of3A_304 : i32 to index
      %get3A_305 = tpu.vector_load %arg6[%get3A] {strides = array<i32>} : memref<2048xf32, #tpu.memory_space<vmem>>, vector<16xf32>,
      %get3A_306 = vector.shape_cast %get3A_305 : vector<16xf32> to vector<16xf32>
      %add3A_307 = vector.broadcast %add3A_299 : i32 to vector<16xi32>
      %add3A_308 = arith.addi %add3A_307, %add3A_8 : vector<16xi32>
      %ge3A = arith.cmpf oge, %get3A_306, %scan3A_281 : vector<16xf32>
      %select_n3A_309 = arith.select %ge3A, %get3A_306, %scan3A_281 : vector<16xi1>, vector<16xf32>
      %select_n3A_310 = arith.select %ge3A, %add3A_308, %scan3A_289 : vector<16xi1>, vector<16xi32>
      %mul3A_311 = arith.constant 128 : i32
      %mul3A_312 = arith.muli %scan3A_280, %mul3A_311 : i32
      %add3A_313 = arith.constant 16 : i32
      %add3A_314 = arith.addi %mul3A_312, %add3A_313 : i32
      %multiple_of3A_315 = tpu.assume_multiple %add3A_314, 16 : i32
      %get3A_316 = arith.index_cast %multiple_of3A_315 : i32 to index
      %get3A_317 = tpu.vector_load %arg6[%get3A_316] {strides = array<i32>} : memref<2048xf32, #tpu.memory_space<vmem>>, vector<16xf32>,
      %get3A_318 = vector.shape_cast %get3A_317 : vector<16xf32> to vector<16xf32>
      %add3A_319 = vector.broadcast %add3A_299 : i32 to vector<16xi32>
      %add3A_320 = arith.addi %add3A_319, %add3A_11 : vector<16xi32>
      %ge3A_321 = arith.cmpf oge, %get3A_318, %scan3A_282 : vector<16xf32>
      %select_n3A_322 = arith.select %ge3A_321, %get3A_318, %scan3A_282 : vector<16xi1>, vector<16xf32>
      %select_n3A_323 = arith.select %ge3A_321, %add3A_320, %scan3A_290 : vector<16xi1>, vector<16xi32>
      %mul3A_324 = arith.constant 128 : i32
      %mul3A_325 = arith.muli %scan3A_280, %mul3A_324 : i32
      %add3A_326 = arith.constant 32 : i32
      %add3A_327 = arith.addi %mul3A_325, %add3A_326 : i32
      %multiple_of3A_328 = tpu.assume_multiple %add3A_327, 16 : i32
      %get3A_329 = arith.index_cast %multiple_of3A_328 : i32 to index
      %get3A_330 = tpu.vector_load %arg6[%get3A_329] {strides = array<i32>} : memref<2048xf32, #tpu.memory_space<vmem>>, vector<16xf32>,
      %get3A_331 = vector.shape_cast %get3A_330 : vector<16xf32> to vector<16xf32>
      %add3A_332 = vector.broadcast %add3A_299 : i32 to vector<16xi32>
      %add3A_333 = arith.addi %add3A_332, %add3A_14 : vector<16xi32>
      %ge3A_334 = arith.cmpf oge, %get3A_331, %scan3A_283 : vector<16xf32>
      %select_n3A_335 = arith.select %ge3A_334, %get3A_331, %scan3A_283 : vector<16xi1>, vector<16xf32>
      %select_n3A_336 = arith.select %ge3A_334, %add3A_333, %scan3A_291 : vector<16xi1>, vector<16xi32>
      %mul3A_337 = arith.constant 128 : i32
      %mul3A_338 = arith.muli %scan3A_280, %mul3A_337 : i32
      %add3A_339 = arith.constant 48 : i32
      %add3A_340 = arith.addi %mul3A_338, %add3A_339 : i32
      %multiple_of3A_341 = tpu.assume_multiple %add3A_340, 16 : i32
      %get3A_342 = arith.index_cast %multiple_of3A_341 : i32 to index
      %get3A_343 = tpu.vector_load %arg6[%get3A_342] {strides = array<i32>} : memref<2048xf32, #tpu.memory_space<vmem>>, vector<16xf32>,
      %get3A_344 = vector.shape_cast %get3A_343 : vector<16xf32> to vector<16xf32>
      %add3A_345 = vector.broadcast %add3A_299 : i32 to vector<16xi32>
      %add3A_346 = arith.addi %add3A_345, %add3A_17 : vector<16xi32>
      %ge3A_347 = arith.cmpf oge, %get3A_344, %scan3A_284 : vector<16xf32>
      %select_n3A_348 = arith.select %ge3A_347, %get3A_344, %scan3A_284 : vector<16xi1>, vector<16xf32>
      %select_n3A_349 = arith.select %ge3A_347, %add3A_346, %scan3A_292 : vector<16xi1>, vector<16xi32>
      %mul3A_350 = arith.constant 128 : i32
      %mul3A_351 = arith.muli %scan3A_280, %mul3A_350 : i32
      %add3A_352 = arith.constant 64 : i32
      %add3A_353 = arith.addi %mul3A_351, %add3A_352 : i32
      %multiple_of3A_354 = tpu.assume_multiple %add3A_353, 16 : i32
      %get3A_355 = arith.index_cast %multiple_of3A_354 : i32 to index
      %get3A_356 = tpu.vector_load %arg6[%get3A_355] {strides = array<i32>} : memref<2048xf32, #tpu.memory_space<vmem>>, vector<16xf32>,
      %get3A_357 = vector.shape_cast %get3A_356 : vector<16xf32> to vector<16xf32>
      %add3A_358 = vector.broadcast %add3A_299 : i32 to vector<16xi32>
      %add3A_359 = arith.addi %add3A_358, %add3A_20 : vector<16xi32>
      %ge3A_360 = arith.cmpf oge, %get3A_357, %scan3A_285 : vector<16xf32>
      %select_n3A_361 = arith.select %ge3A_360, %get3A_357, %scan3A_285 : vector<16xi1>, vector<16xf32>
      %select_n3A_362 = arith.select %ge3A_360, %add3A_359, %scan3A_293 : vector<16xi1>, vector<16xi32>
      %mul3A_363 = arith.constant 128 : i32
      %mul3A_364 = arith.muli %scan3A_280, %mul3A_363 : i32
      %add3A_365 = arith.constant 80 : i32
      %add3A_366 = arith.addi %mul3A_364, %add3A_365 : i32
      %multiple_of3A_367 = tpu.assume_multiple %add3A_366, 16 : i32
      %get3A_368 = arith.index_cast %multiple_of3A_367 : i32 to index
      %get3A_369 = tpu.vector_load %arg6[%get3A_368] {strides = array<i32>} : memref<2048xf32, #tpu.memory_space<vmem>>, vector<16xf32>,
      %get3A_370 = vector.shape_cast %get3A_369 : vector<16xf32> to vector<16xf32>
      %add3A_371 = vector.broadcast %add3A_299 : i32 to vector<16xi32>
      %add3A_372 = arith.addi %add3A_371, %add3A_23 : vector<16xi32>
      %ge3A_373 = arith.cmpf oge, %get3A_370, %scan3A_286 : vector<16xf32>
      %select_n3A_374 = arith.select %ge3A_373, %get3A_370, %scan3A_286 : vector<16xi1>, vector<16xf32>
      %select_n3A_375 = arith.select %ge3A_373, %add3A_372, %scan3A_294 : vector<16xi1>, vector<16xi32>
      %mul3A_376 = arith.constant 128 : i32
      %mul3A_377 = arith.muli %scan3A_280, %mul3A_376 : i32
      %add3A_378 = arith.constant 96 : i32
      %add3A_379 = arith.addi %mul3A_377, %add3A_378 : i32
      %multiple_of3A_380 = tpu.assume_multiple %add3A_379, 16 : i32
      %get3A_381 = arith.index_cast %multiple_of3A_380 : i32 to index
      %get3A_382 = tpu.vector_load %arg6[%get3A_381] {strides = array<i32>} : memref<2048xf32, #tpu.memory_space<vmem>>, vector<16xf32>,
      %get3A_383 = vector.shape_cast %get3A_382 : vector<16xf32> to vector<16xf32>
      %add3A_384 = vector.broadcast %add3A_299 : i32 to vector<16xi32>
      %add3A_385 = arith.addi %add3A_384, %add3A_26 : vector<16xi32>
      %ge3A_386 = arith.cmpf oge, %get3A_383, %scan3A_287 : vector<16xf32>
      %select_n3A_387 = arith.select %ge3A_386, %get3A_383, %scan3A_287 : vector<16xi1>, vector<16xf32>
      %select_n3A_388 = arith.select %ge3A_386, %add3A_385, %scan3A_295 : vector<16xi1>, vector<16xi32>
      %mul3A_389 = arith.constant 128 : i32
      %mul3A_390 = arith.muli %scan3A_280, %mul3A_389 : i32
      %add3A_391 = arith.constant 112 : i32
      %add3A_392 = arith.addi %mul3A_390, %add3A_391 : i32
      %multiple_of3A_393 = tpu.assume_multiple %add3A_392, 16 : i32
      %get3A_394 = arith.index_cast %multiple_of3A_393 : i32 to index
      %get3A_395 = tpu.vector_load %arg6[%get3A_394] {strides = array<i32>} : memref<2048xf32, #tpu.memory_space<vmem>>, vector<16xf32>,
      %get3A_396 = vector.shape_cast %get3A_395 : vector<16xf32> to vector<16xf32>
      %add3A_397 = vector.broadcast %add3A_299 : i32 to vector<16xi32>
      %add3A_398 = arith.addi %add3A_397, %add3A_29 : vector<16xi32>
      %ge3A_399 = arith.cmpf oge, %get3A_396, %scan3A_288 : vector<16xf32>
      %select_n3A_400 = arith.select %ge3A_399, %get3A_396, %scan3A_288 : vector<16xi1>, vector<16xf32>
      %select_n3A_401 = arith.select %ge3A_399, %add3A_398, %scan3A_296 : vector<16xi1>, vector<16xi32>
      scf.yield %select_n3A_309, %select_n3A_322, %select_n3A_335, %select_n3A_348, %select_n3A_361, %select_n3A_374, %select_n3A_387, %select_n3A_400, %select_n3A_310, %select_n3A_323, %select_n3A_336, %select_n3A_349, %select_n3A_362, %select_n3A_375, %select_n3A_388, %select_n3A_401 : vector<16xf32>, vector<16xf32>, vector<16xf32>, vector<16xf32>, vector<16xf32>, vector<16xf32>, vector<16xf32>, vector<16xf32>, vector<16xi32>, vector<16xi32>, vector<16xi32>, vector<16xi32>, vector<16xi32>, vector<16xi32>, vector<16xi32>, vector<16xi32>
    }
    %scan3A_50 = arith.constant 16 : i32
    %gt3A = arith.cmpf ogt, %scan3A_49#1, %scan3A_49#0 : vector<16xf32>
    %eq3A_51 = arith.cmpf oeq, %scan3A_49#1, %scan3A_49#0 : vector<16xf32>
    %gt3A_52 = arith.cmpi sgt, %scan3A_49#9, %scan3A_49#8 : vector<16xi32>
    %and3A = arith.andi %eq3A_51, %gt3A_52 : vector<16xi1>
    %or3A = arith.ori %gt3A, %and3A : vector<16xi1>
    %select_n3A = arith.select %or3A, %scan3A_49#1, %scan3A_49#0 : vector<16xi1>, vector<16xf32>
    %select_n3A_53 = arith.select %or3A, %scan3A_49#9, %scan3A_49#8 : vector<16xi1>, vector<16xi32>
    %gt3A_54 = arith.cmpf ogt, %scan3A_49#2, %select_n3A : vector<16xf32>
    %eq3A_55 = arith.cmpf oeq, %scan3A_49#2, %select_n3A : vector<16xf32>
    %gt3A_56 = arith.cmpi sgt, %scan3A_49#10, %select_n3A_53 : vector<16xi32>
    %and3A_57 = arith.andi %eq3A_55, %gt3A_56 : vector<16xi1>
    %or3A_58 = arith.ori %gt3A_54, %and3A_57 : vector<16xi1>
    %select_n3A_59 = arith.select %or3A_58, %scan3A_49#2, %select_n3A : vector<16xi1>, vector<16xf32>
    %select_n3A_60 = arith.select %or3A_58, %scan3A_49#10, %select_n3A_53 : vector<16xi1>, vector<16xi32>
    %gt3A_61 = arith.cmpf ogt, %scan3A_49#3, %select_n3A_59 : vector<16xf32>
    %eq3A_62 = arith.cmpf oeq, %scan3A_49#3, %select_n3A_59 : vector<16xf32>
    %gt3A_63 = arith.cmpi sgt, %scan3A_49#11, %select_n3A_60 : vector<16xi32>
    %and3A_64 = arith.andi %eq3A_62, %gt3A_63 : vector<16xi1>
    %or3A_65 = arith.ori %gt3A_61, %and3A_64 : vector<16xi1>
    %select_n3A_66 = arith.select %or3A_65, %scan3A_49#3, %select_n3A_59 : vector<16xi1>, vector<16xf32>
    %select_n3A_67 = arith.select %or3A_65, %scan3A_49#11, %select_n3A_60 : vector<16xi1>, vector<16xi32>
    %gt3A_68 = arith.cmpf ogt, %scan3A_49#4, %select_n3A_66 : vector<16xf32>
    %eq3A_69 = arith.cmpf oeq, %scan3A_49#4, %select_n3A_66 : vector<16xf32>
    %gt3A_70 = arith.cmpi sgt, %scan3A_49#12, %select_n3A_67 : vector<16xi32>
    %and3A_71 = arith.andi %eq3A_69, %gt3A_70 : vector<16xi1>
    %or3A_72 = arith.ori %gt3A_68, %and3A_71 : vector<16xi1>
    %select_n3A_73 = arith.select %or3A_72, %scan3A_49#4, %select_n3A_66 : vector<16xi1>, vector<16xf32>
    %select_n3A_74 = arith.select %or3A_72, %scan3A_49#12, %select_n3A_67 : vector<16xi1>, vector<16xi32>
    %gt3A_75 = arith.cmpf ogt, %scan3A_49#5, %select_n3A_73 : vector<16xf32>
    %eq3A_76 = arith.cmpf oeq, %scan3A_49#5, %select_n3A_73 : vector<16xf32>
    %gt3A_77 = arith.cmpi sgt, %scan3A_49#13, %select_n3A_74 : vector<16xi32>
    %and3A_78 = arith.andi %eq3A_76, %gt3A_77 : vector<16xi1>
    %or3A_79 = arith.ori %gt3A_75, %and3A_78 : vector<16xi1>
    %select_n3A_80 = arith.select %or3A_79, %scan3A_49#5, %select_n3A_73 : vector<16xi1>, vector<16xf32>
    %select_n3A_81 = arith.select %or3A_79, %scan3A_49#13, %select_n3A_74 : vector<16xi1>, vector<16xi32>
    %gt3A_82 = arith.cmpf ogt, %scan3A_49#6, %select_n3A_80 : vector<16xf32>
    %eq3A_83 = arith.cmpf oeq, %scan3A_49#6, %select_n3A_80 : vector<16xf32>
    %gt3A_84 = arith.cmpi sgt, %scan3A_49#14, %select_n3A_81 : vector<16xi32>
    %and3A_85 = arith.andi %eq3A_83, %gt3A_84 : vector<16xi1>
    %or3A_86 = arith.ori %gt3A_82, %and3A_85 : vector<16xi1>
    %select_n3A_87 = arith.select %or3A_86, %scan3A_49#6, %select_n3A_80 : vector<16xi1>, vector<16xf32>
    %select_n3A_88 = arith.select %or3A_86, %scan3A_49#14, %select_n3A_81 : vector<16xi1>, vector<16xi32>
    %gt3A_89 = arith.cmpf ogt, %scan3A_49#7, %select_n3A_87 : vector<16xf32>
    %eq3A_90 = arith.cmpf oeq, %scan3A_49#7, %select_n3A_87 : vector<16xf32>
    %gt3A_91 = arith.cmpi sgt, %scan3A_49#15, %select_n3A_88 : vector<16xi32>
    %and3A_92 = arith.andi %eq3A_90, %gt3A_91 : vector<16xi1>
    %or3A_93 = arith.ori %gt3A_89, %and3A_92 : vector<16xi1>
    %select_n3A_94 = arith.select %or3A_93, %scan3A_49#7, %select_n3A_87 : vector<16xi1>, vector<16xf32>
    %select_n3A_95 = arith.select %or3A_93, %scan3A_49#15, %select_n3A_88 : vector<16xi1>, vector<16xi32>
    %slice3A = vector.extract_strided_slice %select_n3A_94 {offsets = [0], sizes = [1], strides = [1]} : vector<16xf32> to vector<1xf32>
    %squeeze3A = vector.extract %slice3A[0] : f32 from vector<1xf32>
    %slice3A_96 = vector.extract_strided_slice %select_n3A_95 {offsets = [0], sizes = [1], strides = [1]} : vector<16xi32> to vector<1xi32>
    %squeeze3A_97 = vector.extract %slice3A_96[0] : i32 from vector<1xi32>
    %slice3A_98 = vector.extract_strided_slice %select_n3A_94 {offsets = [1], sizes = [1], strides = [1]} : vector<16xf32> to vector<1xf32>
    %squeeze3A_99 = vector.extract %slice3A_98[0] : f32 from vector<1xf32>
    %slice3A_100 = vector.extract_strided_slice %select_n3A_95 {offsets = [1], sizes = [1], strides = [1]} : vector<16xi32> to vector<1xi32>
    %squeeze3A_101 = vector.extract %slice3A_100[0] : i32 from vector<1xi32>
    %gt3A_102 = arith.cmpf ogt, %squeeze3A_99, %squeeze3A : f32
    %eq3A_103 = arith.cmpf oeq, %squeeze3A_99, %squeeze3A : f32
    %gt3A_104 = arith.cmpi sgt, %squeeze3A_101, %squeeze3A_97 : i32
    %and3A_105 = arith.andi %eq3A_103, %gt3A_104 : i1
    %or3A_106 = arith.ori %gt3A_102, %and3A_105 : i1
    %select_n3A_107 = arith.select %or3A_106, %squeeze3A_99, %squeeze3A : f32
    %select_n3A_108 = arith.select %or3A_106, %squeeze3A_101, %squeeze3A_97 : i32
    %slice3A_109 = vector.extract_strided_slice %select_n3A_94 {offsets = [2], sizes = [1], strides = [1]} : vector<16xf32> to vector<1xf32>
    %squeeze3A_110 = vector.extract %slice3A_109[0] : f32 from vector<1xf32>
    %slice3A_111 = vector.extract_strided_slice %select_n3A_95 {offsets = [2], sizes = [1], strides = [1]} : vector<16xi32> to vector<1xi32>
    %squeeze3A_112 = vector.extract %slice3A_111[0] : i32 from vector<1xi32>
    %gt3A_113 = arith.cmpf ogt, %squeeze3A_110, %select_n3A_107 : f32
    %eq3A_114 = arith.cmpf oeq, %squeeze3A_110, %select_n3A_107 : f32
    %gt3A_115 = arith.cmpi sgt, %squeeze3A_112, %select_n3A_108 : i32
    %and3A_116 = arith.andi %eq3A_114, %gt3A_115 : i1
    %or3A_117 = arith.ori %gt3A_113, %and3A_116 : i1
    %select_n3A_118 = arith.select %or3A_117, %squeeze3A_110, %select_n3A_107 : f32
    %select_n3A_119 = arith.select %or3A_117, %squeeze3A_112, %select_n3A_108 : i32
    %slice3A_120 = vector.extract_strided_slice %select_n3A_94 {offsets = [3], sizes = [1], strides = [1]} : vector<16xf32> to vector<1xf32>
    %squeeze3A_121 = vector.extract %slice3A_120[0] : f32 from vector<1xf32>
    %slice3A_122 = vector.extract_strided_slice %select_n3A_95 {offsets = [3], sizes = [1], strides = [1]} : vector<16xi32> to vector<1xi32>
    %squeeze3A_123 = vector.extract %slice3A_122[0] : i32 from vector<1xi32>
    %gt3A_124 = arith.cmpf ogt, %squeeze3A_121, %select_n3A_118 : f32
    %eq3A_125 = arith.cmpf oeq, %squeeze3A_121, %select_n3A_118 : f32
    %gt3A_126 = arith.cmpi sgt, %squeeze3A_123, %select_n3A_119 : i32
    %and3A_127 = arith.andi %eq3A_125, %gt3A_126 : i1
    %or3A_128 = arith.ori %gt3A_124, %and3A_127 : i1
    %select_n3A_129 = arith.select %or3A_128, %squeeze3A_121, %select_n3A_118 : f32
    %select_n3A_130 = arith.select %or3A_128, %squeeze3A_123, %select_n3A_119 : i32
    %slice3A_131 = vector.extract_strided_slice %select_n3A_94 {offsets = [4], sizes = [1], strides = [1]} : vector<16xf32> to vector<1xf32>
    %squeeze3A_132 = vector.extract %slice3A_131[0] : f32 from vector<1xf32>
    %slice3A_133 = vector.extract_strided_slice %select_n3A_95 {offsets = [4], sizes = [1], strides = [1]} : vector<16xi32> to vector<1xi32>
    %squeeze3A_134 = vector.extract %slice3A_133[0] : i32 from vector<1xi32>
    %gt3A_135 = arith.cmpf ogt, %squeeze3A_132, %select_n3A_129 : f32
    %eq3A_136 = arith.cmpf oeq, %squeeze3A_132, %select_n3A_129 : f32
    %gt3A_137 = arith.cmpi sgt, %squeeze3A_134, %select_n3A_130 : i32
    %and3A_138 = arith.andi %eq3A_136, %gt3A_137 : i1
    %or3A_139 = arith.ori %gt3A_135, %and3A_138 : i1
    %select_n3A_140 = arith.select %or3A_139, %squeeze3A_132, %select_n3A_129 : f32
    %select_n3A_141 = arith.select %or3A_139, %squeeze3A_134, %select_n3A_130 : i32
    %slice3A_142 = vector.extract_strided_slice %select_n3A_94 {offsets = [5], sizes = [1], strides = [1]} : vector<16xf32> to vector<1xf32>
    %squeeze3A_143 = vector.extract %slice3A_142[0] : f32 from vector<1xf32>
    %slice3A_144 = vector.extract_strided_slice %select_n3A_95 {offsets = [5], sizes = [1], strides = [1]} : vector<16xi32> to vector<1xi32>
    %squeeze3A_145 = vector.extract %slice3A_144[0] : i32 from vector<1xi32>
    %gt3A_146 = arith.cmpf ogt, %squeeze3A_143, %select_n3A_140 : f32
    %eq3A_147 = arith.cmpf oeq, %squeeze3A_143, %select_n3A_140 : f32
    %gt3A_148 = arith.cmpi sgt, %squeeze3A_145, %select_n3A_141 : i32
    %and3A_149 = arith.andi %eq3A_147, %gt3A_148 : i1
    %or3A_150 = arith.ori %gt3A_146, %and3A_149 : i1
    %select_n3A_151 = arith.select %or3A_150, %squeeze3A_143, %select_n3A_140 : f32
    %select_n3A_152 = arith.select %or3A_150, %squeeze3A_145, %select_n3A_141 : i32
    %slice3A_153 = vector.extract_strided_slice %select_n3A_94 {offsets = [6], sizes = [1], strides = [1]} : vector<16xf32> to vector<1xf32>
    %squeeze3A_154 = vector.extract %slice3A_153[0] : f32 from vector<1xf32>
    %slice3A_155 = vector.extract_strided_slice %select_n3A_95 {offsets = [6], sizes = [1], strides = [1]} : vector<16xi32> to vector<1xi32>
    %squeeze3A_156 = vector.extract %slice3A_155[0] : i32 from vector<1xi32>
    %gt3A_157 = arith.cmpf ogt, %squeeze3A_154, %select_n3A_151 : f32
    %eq3A_158 = arith.cmpf oeq, %squeeze3A_154, %select_n3A_151 : f32
    %gt3A_159 = arith.cmpi sgt, %squeeze3A_156, %select_n3A_152 : i32
    %and3A_160 = arith.andi %eq3A_158, %gt3A_159 : i1
    %or3A_161 = arith.ori %gt3A_157, %and3A_160 : i1
    %select_n3A_162 = arith.select %or3A_161, %squeeze3A_154, %select_n3A_151 : f32
    %select_n3A_163 = arith.select %or3A_161, %squeeze3A_156, %select_n3A_152 : i32
    %slice3A_164 = vector.extract_strided_slice %select_n3A_94 {offsets = [7], sizes = [1], strides = [1]} : vector<16xf32> to vector<1xf32>
    %squeeze3A_165 = vector.extract %slice3A_164[0] : f32 from vector<1xf32>
    %slice3A_166 = vector.extract_strided_slice %select_n3A_95 {offsets = [7], sizes = [1], strides = [1]} : vector<16xi32> to vector<1xi32>
    %squeeze3A_167 = vector.extract %slice3A_166[0] : i32 from vector<1xi32>
    %gt3A_168 = arith.cmpf ogt, %squeeze3A_165, %select_n3A_162 : f32
    %eq3A_169 = arith.cmpf oeq, %squeeze3A_165, %select_n3A_162 : f32
    %gt3A_170 = arith.cmpi sgt, %squeeze3A_167, %select_n3A_163 : i32
    %and3A_171 = arith.andi %eq3A_169, %gt3A_170 : i1
    %or3A_172 = arith.ori %gt3A_168, %and3A_171 : i1
    %select_n3A_173 = arith.select %or3A_172, %squeeze3A_165, %select_n3A_162 : f32
    %select_n3A_174 = arith.select %or3A_172, %squeeze3A_167, %select_n3A_163 : i32
    %slice3A_175 = vector.extract_strided_slice %select_n3A_94 {offsets = [8], sizes = [1], strides = [1]} : vector<16xf32> to vector<1xf32>
    %squeeze3A_176 = vector.extract %slice3A_175[0] : f32 from vector<1xf32>
    %slice3A_177 = vector.extract_strided_slice %select_n3A_95 {offsets = [8], sizes = [1], strides = [1]} : vector<16xi32> to vector<1xi32>
    %squeeze3A_178 = vector.extract %slice3A_177[0] : i32 from vector<1xi32>
    %gt3A_179 = arith.cmpf ogt, %squeeze3A_176, %select_n3A_173 : f32
    %eq3A_180 = arith.cmpf oeq, %squeeze3A_176, %select_n3A_173 : f32
    %gt3A_181 = arith.cmpi sgt, %squeeze3A_178, %select_n3A_174 : i32
    %and3A_182 = arith.andi %eq3A_180, %gt3A_181 : i1
    %or3A_183 = arith.ori %gt3A_179, %and3A_182 : i1
    %select_n3A_184 = arith.select %or3A_183, %squeeze3A_176, %select_n3A_173 : f32
    %select_n3A_185 = arith.select %or3A_183, %squeeze3A_178, %select_n3A_174 : i32
    %slice3A_186 = vector.extract_strided_slice %select_n3A_94 {offsets = [9], sizes = [1], strides = [1]} : vector<16xf32> to vector<1xf32>
    %squeeze3A_187 = vector.extract %slice3A_186[0] : f32 from vector<1xf32>
    %slice3A_188 = vector.extract_strided_slice %select_n3A_95 {offsets = [9], sizes = [1], strides = [1]} : vector<16xi32> to vector<1xi32>
    %squeeze3A_189 = vector.extract %slice3A_188[0] : i32 from vector<1xi32>
    %gt3A_190 = arith.cmpf ogt, %squeeze3A_187, %select_n3A_184 : f32
    %eq3A_191 = arith.cmpf oeq, %squeeze3A_187, %select_n3A_184 : f32
    %gt3A_192 = arith.cmpi sgt, %squeeze3A_189, %select_n3A_185 : i32
    %and3A_193 = arith.andi %eq3A_191, %gt3A_192 : i1
    %or3A_194 = arith.ori %gt3A_190, %and3A_193 : i1
    %select_n3A_195 = arith.select %or3A_194, %squeeze3A_187, %select_n3A_184 : f32
    %select_n3A_196 = arith.select %or3A_194, %squeeze3A_189, %select_n3A_185 : i32
    %slice3A_197 = vector.extract_strided_slice %select_n3A_94 {offsets = [10], sizes = [1], strides = [1]} : vector<16xf32> to vector<1xf32>
    %squeeze3A_198 = vector.extract %slice3A_197[0] : f32 from vector<1xf32>
    %slice3A_199 = vector.extract_strided_slice %select_n3A_95 {offsets = [10], sizes = [1], strides = [1]} : vector<16xi32> to vector<1xi32>
    %squeeze3A_200 = vector.extract %slice3A_199[0] : i32 from vector<1xi32>
    %gt3A_201 = arith.cmpf ogt, %squeeze3A_198, %select_n3A_195 : f32
    %eq3A_202 = arith.cmpf oeq, %squeeze3A_198, %select_n3A_195 : f32
    %gt3A_203 = arith.cmpi sgt, %squeeze3A_200, %select_n3A_196 : i32
    %and3A_204 = arith.andi %eq3A_202, %gt3A_203 : i1
    %or3A_205 = arith.ori %gt3A_201, %and3A_204 : i1
    %select_n3A_206 = arith.select %or3A_205, %squeeze3A_198, %select_n3A_195 : f32
    %select_n3A_207 = arith.select %or3A_205, %squeeze3A_200, %select_n3A_196 : i32
    %slice3A_208 = vector.extract_strided_slice %select_n3A_94 {offsets = [11], sizes = [1], strides = [1]} : vector<16xf32> to vector<1xf32>
    %squeeze3A_209 = vector.extract %slice3A_208[0] : f32 from vector<1xf32>
    %slice3A_210 = vector.extract_strided_slice %select_n3A_95 {offsets = [11], sizes = [1], strides = [1]} : vector<16xi32> to vector<1xi32>
    %squeeze3A_211 = vector.extract %slice3A_210[0] : i32 from vector<1xi32>
    %gt3A_212 = arith.cmpf ogt, %squeeze3A_209, %select_n3A_206 : f32
    %eq3A_213 = arith.cmpf oeq, %squeeze3A_209, %select_n3A_206 : f32
    %gt3A_214 = arith.cmpi sgt, %squeeze3A_211, %select_n3A_207 : i32
    %and3A_215 = arith.andi %eq3A_213, %gt3A_214 : i1
    %or3A_216 = arith.ori %gt3A_212, %and3A_215 : i1
    %select_n3A_217 = arith.select %or3A_216, %squeeze3A_209, %select_n3A_206 : f32
    %select_n3A_218 = arith.select %or3A_216, %squeeze3A_211, %select_n3A_207 : i32
    %slice3A_219 = vector.extract_strided_slice %select_n3A_94 {offsets = [12], sizes = [1], strides = [1]} : vector<16xf32> to vector<1xf32>
    %squeeze3A_220 = vector.extract %slice3A_219[0] : f32 from vector<1xf32>
    %slice3A_221 = vector.extract_strided_slice %select_n3A_95 {offsets = [12], sizes = [1], strides = [1]} : vector<16xi32> to vector<1xi32>
    %squeeze3A_222 = vector.extract %slice3A_221[0] : i32 from vector<1xi32>
    %gt3A_223 = arith.cmpf ogt, %squeeze3A_220, %select_n3A_217 : f32
    %eq3A_224 = arith.cmpf oeq, %squeeze3A_220, %select_n3A_217 : f32
    %gt3A_225 = arith.cmpi sgt, %squeeze3A_222, %select_n3A_218 : i32
    %and3A_226 = arith.andi %eq3A_224, %gt3A_225 : i1
    %or3A_227 = arith.ori %gt3A_223, %and3A_226 : i1
    %select_n3A_228 = arith.select %or3A_227, %squeeze3A_220, %select_n3A_217 : f32
    %select_n3A_229 = arith.select %or3A_227, %squeeze3A_222, %select_n3A_218 : i32
    %slice3A_230 = vector.extract_strided_slice %select_n3A_94 {offsets = [13], sizes = [1], strides = [1]} : vector<16xf32> to vector<1xf32>
    %squeeze3A_231 = vector.extract %slice3A_230[0] : f32 from vector<1xf32>
    %slice3A_232 = vector.extract_strided_slice %select_n3A_95 {offsets = [13], sizes = [1], strides = [1]} : vector<16xi32> to vector<1xi32>
    %squeeze3A_233 = vector.extract %slice3A_232[0] : i32 from vector<1xi32>
    %gt3A_234 = arith.cmpf ogt, %squeeze3A_231, %select_n3A_228 : f32
    %eq3A_235 = arith.cmpf oeq, %squeeze3A_231, %select_n3A_228 : f32
    %gt3A_236 = arith.cmpi sgt, %squeeze3A_233, %select_n3A_229 : i32
    %and3A_237 = arith.andi %eq3A_235, %gt3A_236 : i1
    %or3A_238 = arith.ori %gt3A_234, %and3A_237 : i1
    %select_n3A_239 = arith.select %or3A_238, %squeeze3A_231, %select_n3A_228 : f32
    %select_n3A_240 = arith.select %or3A_238, %squeeze3A_233, %select_n3A_229 : i32
    %slice3A_241 = vector.extract_strided_slice %select_n3A_94 {offsets = [14], sizes = [1], strides = [1]} : vector<16xf32> to vector<1xf32>
    %squeeze3A_242 = vector.extract %slice3A_241[0] : f32 from vector<1xf32>
    %slice3A_243 = vector.extract_strided_slice %select_n3A_95 {offsets = [14], sizes = [1], strides = [1]} : vector<16xi32> to vector<1xi32>
    %squeeze3A_244 = vector.extract %slice3A_243[0] : i32 from vector<1xi32>
    %gt3A_245 = arith.cmpf ogt, %squeeze3A_242, %select_n3A_239 : f32
    %eq3A_246 = arith.cmpf oeq, %squeeze3A_242, %select_n3A_239 : f32
    %gt3A_247 = arith.cmpi sgt, %squeeze3A_244, %select_n3A_240 : i32
    %and3A_248 = arith.andi %eq3A_246, %gt3A_247 : i1
    %or3A_249 = arith.ori %gt3A_245, %and3A_248 : i1
    %select_n3A_250 = arith.select %or3A_249, %squeeze3A_242, %select_n3A_239 : f32
    %select_n3A_251 = arith.select %or3A_249, %squeeze3A_244, %select_n3A_240 : i32
    %slice3A_252 = vector.extract_strided_slice %select_n3A_94 {offsets = [15], sizes = [1], strides = [1]} : vector<16xf32> to vector<1xf32>
    %squeeze3A_253 = vector.extract %slice3A_252[0] : f32 from vector<1xf32>
    %slice3A_254 = vector.extract_strided_slice %select_n3A_95 {offsets = [15], sizes = [1], strides = [1]} : vector<16xi32> to vector<1xi32>
    %squeeze3A_255 = vector.extract %slice3A_254[0] : i32 from vector<1xi32>
    %gt3A_256 = arith.cmpf ogt, %squeeze3A_253, %select_n3A_250 : f32
    %eq3A_257 = arith.cmpf oeq, %squeeze3A_253, %select_n3A_250 : f32
    %gt3A_258 = arith.cmpi sgt, %squeeze3A_255, %select_n3A_251 : i32
    %and3A_259 = arith.andi %eq3A_257, %gt3A_258 : i1
    %or3A_260 = arith.ori %gt3A_256, %and3A_259 : i1
    %select_n3A_261 = arith.select %or3A_260, %squeeze3A_253, %select_n3A_250 : f32
    %select_n3A_262 = arith.select %or3A_260, %squeeze3A_255, %select_n3A_251 : i32
    %broadcast_in_dim3A_263 = vector.broadcast %select_n3A_262 : i32 to vector<16xi32>
    %swap3A = arith.constant 0 : index
    %swap3A_264 = tpu.vector_load %arg8[%swap3A] {strides = array<i32>} : memref<16xi32, #tpu.memory_space<vmem>>, vector<16xi32>,
    %swap3A_265 = vector.shape_cast %swap3A_264 : vector<16xi32> to vector<16xi32>
    %swap3A_266 = vector.shape_cast %broadcast_in_dim3A_263 : vector<16xi32> to vector<16xi32>
    tpu.vector_store %arg8[%swap3A], %swap3A_266 {strides = array<i32>} : memref<16xi32, #tpu.memory_space<vmem>>, vector<16xi32>,
    %dma_start3A = arith.constant 0 : i32
    %dma_start3A_267 = tpu.memref_slice %arg8[%dma_start3A] : memref<16xi32, #tpu.memory_space<vmem>> -> memref<1xi32, #tpu.memory_space<vmem>>
    %dma_start3A_268 = arith.constant 0 : i32
    %dma_start3A_269 = arith.constant 0 : i32
    %dma_start3A_270 = tpu.memref_slice %arg3[%dma_start3A_268, %dma_start3A_269] : memref<65536x512xf32, #tpu.memory_space<hbm>> -> memref<65536x512xf32, #tpu.memory_space<hbm>>
    tpu.enqueue_indirect_dma source(%dma_start3A_270 : memref<65536x512xf32, #tpu.memory_space<hbm>>) target(%arg9 : memref<1x512xf32, #tpu.memory_space<vmem>>) offsets(%dma_start3A_267 : memref<1xi32, #tpu.memory_space<vmem>>) semaphore(%arg10 : memref<!tpu.dma_semaphore, #tpu.memory_space<semaphore_mem>>)
    %broadcast_in_dim3A_271 = vector.broadcast %select_n3A_261 : f32 to vector<16xf32>
    %swap3A_272 = arith.constant 0 : index
    %swap3A_273 = tpu.vector_load %arg7[%swap3A_272] {strides = array<i32>} : memref<16xf32, #tpu.memory_space<vmem>>, vector<16xf32>,
    %swap3A_274 = vector.shape_cast %swap3A_273 : vector<16xf32> to vector<16xf32>
    %swap3A_275 = vector.shape_cast %broadcast_in_dim3A_271 : vector<16xf32> to vector<16xf32>
    tpu.vector_store %arg7[%swap3A_272], %swap3A_275 {strides = array<i32>} : memref<16xf32, #tpu.memory_space<vmem>>, vector<16xf32>,
    "tpu.region"() ({
      %run_scoped3A_280 = tpu.sem_alloc : memref<!tpu.dma_semaphore, #tpu.memory_space<semaphore_mem>>
      %dma_start3A_281 = arith.constant 0 : i32
      %dma_start3A_282 = tpu.memref_slice %arg5[%add3A, %dma_start3A_281] : memref<32x16xf32, #tpu.memory_space<hbm>> -> memref<1x16xf32, #tpu.memory_space<hbm>>
      %dma_start3A_283 = tpu.memref_squeeze %dma_start3A_282 : memref<1x16xf32, #tpu.memory_space<hbm>> -> memref<16xf32, #tpu.memory_space<hbm>>
      %dma_start3A_284 = arith.constant 0 : i32
      %dma_start3A_285 = tpu.memref_slice %arg5[%add3A, %dma_start3A_284] : memref<32x16xf32, #tpu.memory_space<hbm>> -> memref<1x16xf32, #tpu.memory_space<hbm>>
      %dma_start3A_286 = tpu.memref_squeeze %dma_start3A_285 : memref<1x16xf32, #tpu.memory_space<hbm>> -> memref<16xf32, #tpu.memory_space<hbm>>
      tpu.enqueue_dma source(%arg7 : memref<16xf32, #tpu.memory_space<vmem>>) target(%dma_start3A_286 : memref<16xf32, #tpu.memory_space<hbm>>) target_semaphore(%run_scoped3A_280 : memref<!tpu.dma_semaphore, #tpu.memory_space<semaphore_mem>>)
      %dma_wait3A_287 = arith.constant 0 : i32
      %dma_wait3A_288 = tpu.memref_slice %arg5[%add3A, %dma_wait3A_287] : memref<32x16xf32, #tpu.memory_space<hbm>> -> memref<1x16xf32, #tpu.memory_space<hbm>>
      %dma_wait3A_289 = tpu.memref_squeeze %dma_wait3A_288 : memref<1x16xf32, #tpu.memory_space<hbm>> -> memref<16xf32, #tpu.memory_space<hbm>>
      %dma_wait3A_290 = arith.constant 0 : i32
      %dma_wait3A_291 = tpu.memref_slice %arg5[%add3A, %dma_wait3A_290] : memref<32x16xf32, #tpu.memory_space<hbm>> -> memref<1x16xf32, #tpu.memory_space<hbm>>
      %dma_wait3A_292 = tpu.memref_squeeze %dma_wait3A_291 : memref<1x16xf32, #tpu.memory_space<hbm>> -> memref<16xf32, #tpu.memory_space<hbm>>
      tpu.wait_dma2 semaphore(%run_scoped3A_280 : memref<!tpu.dma_semaphore, #tpu.memory_space<semaphore_mem>>) src(%arg7 : memref<16xf32, #tpu.memory_space<vmem>>) dst(%dma_wait3A_292 : memref<16xf32, #tpu.memory_space<hbm>>)
      tpu.yield
    }) : () -> ()
    %dma_wait3A = arith.constant 0 : i32
    %dma_wait3A_276 = tpu.memref_slice %arg8[%dma_wait3A] : memref<16xi32, #tpu.memory_space<vmem>> -> memref<1xi32, #tpu.memory_space<vmem>>
    %dma_wait3A_277 = arith.constant 0 : i32
    %dma_wait3A_278 = arith.constant 0 : i32
    %dma_wait3A_279 = tpu.memref_slice %arg3[%dma_wait3A_277, %dma_wait3A_278] : memref<65536x512xf32, #tpu.memory_space<hbm>> -> memref<65536x512xf32, #tpu.memory_space<hbm>>
    tpu.wait_indirect_dma semaphore(%arg10 : memref<!tpu.dma_semaphore, #tpu.memory_space<semaphore_mem>>) src(%dma_wait3A_279 : memref<65536x512xf32, #tpu.memory_space<hbm>>) dst(%arg9 : memref<1x512xf32, #tpu.memory_space<vmem>>)
    %run_scoped3A = arith.constant 0 : i32
    "tpu.region"() ({
      %run_scoped3A_280 = tpu.sem_alloc : memref<!tpu.dma_semaphore, #tpu.memory_space<semaphore_mem>>
      %dma_start3A_281 = arith.constant 0 : i32
      %dma_start3A_282 = tpu.memref_slice %arg9[%run_scoped3A, %dma_start3A_281] : memref<1x512xf32, #tpu.memory_space<vmem>> -> memref<1x512xf32, #tpu.memory_space<vmem>>
      %dma_start3A_283 = tpu.memref_squeeze %dma_start3A_282 : memref<1x512xf32, #tpu.memory_space<vmem>> -> memref<512xf32, #tpu.memory_space<vmem>>
      %dma_start3A_284 = arith.constant 0 : i32
      %dma_start3A_285 = tpu.memref_slice %arg4[%add3A, %dma_start3A_284] : memref<32x512xf32, #tpu.memory_space<hbm>> -> memref<1x512xf32, #tpu.memory_space<hbm>>
      %dma_start3A_286 = tpu.memref_squeeze %dma_start3A_285 : memref<1x512xf32, #tpu.memory_space<hbm>> -> memref<512xf32, #tpu.memory_space<hbm>>
      %dma_start3A_287 = arith.constant 0 : i32
      %dma_start3A_288 = tpu.memref_slice %arg4[%add3A, %dma_start3A_287] : memref<32x512xf32, #tpu.memory_space<hbm>> -> memref<1x512xf32, #tpu.memory_space<hbm>>
      %dma_start3A_289 = tpu.memref_squeeze %dma_start3A_288 : memref<1x512xf32, #tpu.memory_space<hbm>> -> memref<512xf32, #tpu.memory_space<hbm>>
      %dma_start3A_290 = arith.constant 0 : i32
      %dma_start3A_291 = tpu.memref_slice %arg9[%run_scoped3A, %dma_start3A_290] : memref<1x512xf32, #tpu.memory_space<vmem>> -> memref<1x512xf32, #tpu.memory_space<vmem>>
      %dma_start3A_292 = tpu.memref_squeeze %dma_start3A_291 : memref<1x512xf32, #tpu.memory_space<vmem>> -> memref<512xf32, #tpu.memory_space<vmem>>
      tpu.enqueue_dma source(%dma_start3A_292 : memref<512xf32, #tpu.memory_space<vmem>>) target(%dma_start3A_289 : memref<512xf32, #tpu.memory_space<hbm>>) target_semaphore(%run_scoped3A_280 : memref<!tpu.dma_semaphore, #tpu.memory_space<semaphore_mem>>)
      %dma_wait3A_293 = arith.constant 0 : i32
      %dma_wait3A_294 = tpu.memref_slice %arg9[%run_scoped3A, %dma_wait3A_293] : memref<1x512xf32, #tpu.memory_space<vmem>> -> memref<1x512xf32, #tpu.memory_space<vmem>>
      %dma_wait3A_295 = tpu.memref_squeeze %dma_wait3A_294 : memref<1x512xf32, #tpu.memory_space<vmem>> -> memref<512xf32, #tpu.memory_space<vmem>>
      %dma_wait3A_296 = arith.constant 0 : i32
      %dma_wait3A_297 = tpu.memref_slice %arg4[%add3A, %dma_wait3A_296] : memref<32x512xf32, #tpu.memory_space<hbm>> -> memref<1x512xf32, #tpu.memory_space<hbm>>
      %dma_wait3A_298 = tpu.memref_squeeze %dma_wait3A_297 : memref<1x512xf32, #tpu.memory_space<hbm>> -> memref<512xf32, #tpu.memory_space<hbm>>
      %dma_wait3A_299 = arith.constant 0 : i32
      %dma_wait3A_300 = tpu.memref_slice %arg4[%add3A, %dma_wait3A_299] : memref<32x512xf32, #tpu.memory_space<hbm>> -> memref<1x512xf32, #tpu.memory_space<hbm>>
      %dma_wait3A_301 = tpu.memref_squeeze %dma_wait3A_300 : memref<1x512xf32, #tpu.memory_space<hbm>> -> memref<512xf32, #tpu.memory_space<hbm>>
      %dma_wait3A_302 = arith.constant 0 : i32
      %dma_wait3A_303 = tpu.memref_slice %arg9[%run_scoped3A, %dma_wait3A_302] : memref<1x512xf32, #tpu.memory_space<vmem>> -> memref<1x512xf32, #tpu.memory_space<vmem>>
      %dma_wait3A_304 = tpu.memref_squeeze %dma_wait3A_303 : memref<1x512xf32, #tpu.memory_space<vmem>> -> memref<512xf32, #tpu.memory_space<vmem>>
      tpu.wait_dma2 semaphore(%run_scoped3A_280 : memref<!tpu.dma_semaphore, #tpu.memory_space<semaphore_mem>>) src(%dma_wait3A_304 : memref<512xf32, #tpu.memory_space<vmem>>) dst(%dma_wait3A_301 : memref<512xf32, #tpu.memory_space<hbm>>)
      tpu.yield
    }) : () -> ()
    return
  }
}

module attributes {stable_mosaic.version = 14 : i64} {
  func.func @_tc_select_body(%arg0: memref<1x512xf32, #tpu.memory_space<vmem>>, %arg1: memref<1x1xf32, #tpu.memory_space<vmem>>, %arg2: memref<32x512xf32, #tpu.memory_space<vmem>>, %arg3: memref<32x16xf32, #tpu.memory_space<vmem>>, %arg4: memref<1x512xf32, #tpu.memory_space<vmem>>) attributes {dimension_semantics = [], scalar_prefetch = 0 : i64, scratch_operands = 0 : i64, tpu.core_type = #tpu.core_type<tc>} {
    %get3A = arith.constant 0 : index
    %get3A_0 = arith.constant 0 : index
    %get3A_1 = vector.load %arg1[%get3A, %get3A_0] : memref<1x1xf32, #tpu.memory_space<vmem>>, vector<1x1xf32>
    %get3A_2 = vector.extract %get3A_1[0, 0] : f32 from vector<1x1xf32>
    %get3A_3 = arith.constant 0 : index
    %get3A_4 = arith.constant 0 : index
    %get3A_5 = vector.load %arg3[%get3A_3, %get3A_4] : memref<32x16xf32, #tpu.memory_space<vmem>>, vector<32x1xf32>
    %reduce_max3A = vector.shape_cast %get3A_5 : vector<32x1xf32> to vector<1x32x1xf32>
    %reduce_max3A_6 = arith.constant dense<0xFF800000> : vector<1xf32>
    %reduce_max3A_7 = vector.multi_reduction <maximumf>, %reduce_max3A, %reduce_max3A_6 [1, 2] : vector<1x32x1xf32> to vector<1xf32>
    %reduce_max3A_8 = vector.shape_cast %reduce_max3A_7 : vector<1xf32> to vector<1x1x1xf32>
    %reduce_max3A_9 = vector.extract %reduce_max3A_8[0, 0, 0] : f32 from vector<1x1x1xf32>
    %iota3A = tpu.iota {dimensions = array<i32: 0>} : vector<32x1xi32>
    %eq3A = vector.broadcast %reduce_max3A_9 : f32 to vector<32x1xf32>
    %eq3A_10 = arith.cmpf oeq, %get3A_5, %eq3A : vector<32x1xf32>
    %jit3A = arith.constant -1 : i32
    %broadcast_in_dim3A = vector.broadcast %jit3A : i32 to vector<32x1xi32>
    %select_n3A = arith.select %eq3A_10, %iota3A, %broadcast_in_dim3A : vector<32x1xi1>, vector<32x1xi32>
    %reduce_max3A_11 = vector.shape_cast %select_n3A : vector<32x1xi32> to vector<1x32x1xi32>
    %reduce_max3A_12 = arith.constant dense<-2147483648> : vector<1xi32>
    %reduce_max3A_13 = vector.multi_reduction <maxsi>, %reduce_max3A_11, %reduce_max3A_12 [1, 2] : vector<1x32x1xi32> to vector<1xi32>
    %reduce_max3A_14 = vector.shape_cast %reduce_max3A_13 : vector<1xi32> to vector<1x1x1xi32>
    %reduce_max3A_15 = vector.extract %reduce_max3A_14[0, 0, 0] : i32 from vector<1x1x1xi32>
    %eq3A_16 = vector.broadcast %reduce_max3A_15 : i32 to vector<32x1xi32>
    %eq3A_17 = arith.cmpi eq, %iota3A, %eq3A_16 : vector<32x1xi32>
    %get3A_18 = arith.constant 0 : index
    %get3A_19 = arith.constant 0 : index
    %get3A_20 = vector.load %arg2[%get3A_18, %get3A_19] : memref<32x512xf32, #tpu.memory_space<vmem>>, vector<32x512xf32>
    %jit3A_21 = arith.constant 0.000000e+00 : f32
    %broadcast_in_dim3A_22 = vector.shape_cast %eq3A_17 : vector<32x1xi1> to vector<32x1xi1>
    %broadcast_in_dim3A_23 = vector.broadcast %broadcast_in_dim3A_22 : vector<32x1xi1> to vector<32x512xi1>
    %broadcast_in_dim3A_24 = vector.broadcast %jit3A_21 : f32 to vector<32x512xf32>
    %select_n3A_25 = arith.select %broadcast_in_dim3A_23, %get3A_20, %broadcast_in_dim3A_24 : vector<32x512xi1>, vector<32x512xf32>
    %reduce_sum3A = arith.constant dense<0.000000e+00> : vector<512xf32>
    %reduce_sum3A_26 = vector.multi_reduction <add>, %select_n3A_25, %reduce_sum3A [0] : vector<32x512xf32> to vector<512xf32>
    %broadcast_in_dim3A_27 = vector.shape_cast %reduce_sum3A_26 : vector<512xf32> to vector<1x512xf32>
    %ge3A = arith.cmpf oge, %get3A_2, %reduce_max3A_9 : f32
    %broadcast_in_dim3A_28 = vector.broadcast %ge3A : i1 to vector<1x512xi1>
    %get3A_29 = arith.constant 0 : index
    %get3A_30 = arith.constant 0 : index
    %get3A_31 = vector.load %arg0[%get3A_29, %get3A_30] : memref<1x512xf32, #tpu.memory_space<vmem>>, vector<1x512xf32>
    %select_n3A_32 = arith.select %broadcast_in_dim3A_28, %get3A_31, %broadcast_in_dim3A_27 : vector<1x512xi1>, vector<1x512xf32>
    %swap3A = arith.constant 0 : index
    %swap3A_33 = arith.constant 0 : index
    %swap3A_34 = vector.load %arg4[%swap3A, %swap3A_33] : memref<1x512xf32, #tpu.memory_space<vmem>>, vector<1x512xf32>
    tpu.vector_store %arg4[%swap3A, %swap3A_33], %select_n3A_32 {strides = array<i32>} : memref<1x512xf32, #tpu.memory_space<vmem>>, vector<1x512xf32>,
    return
  }
}

module attributes {stable_mosaic.version = 14 : i64} {
  func.func @_tc_priority_body(%arg0: memref<1x512xf32, #tpu.memory_space<vmem>>, %arg1: memref<1x1xf32, #tpu.memory_space<vmem>>) attributes {dimension_semantics = [], scalar_prefetch = 0 : i64, scratch_operands = 0 : i64, tpu.core_type = #tpu.core_type<tc>} {
    %get3A = arith.constant 0 : index
    %get3A_0 = arith.constant 0 : index
    %get3A_1 = vector.load %arg0[%get3A, %get3A_0] : memref<1x512xf32, #tpu.memory_space<vmem>>, vector<1x512xf32>
    %reduce_max3A = vector.shape_cast %get3A_1 : vector<1x512xf32> to vector<1x1x512xf32>
    %reduce_max3A_2 = arith.constant dense<0xFF800000> : vector<1xf32>
    %reduce_max3A_3 = vector.multi_reduction <maximumf>, %reduce_max3A, %reduce_max3A_2 [1, 2] : vector<1x1x512xf32> to vector<1xf32>
    %reduce_max3A_4 = vector.shape_cast %reduce_max3A_3 : vector<1xf32> to vector<1x1x1xf32>
    %reduce_max3A_5 = vector.extract %reduce_max3A_4[0, 0, 0] : f32 from vector<1x1x1xf32>
    %sub3A = vector.broadcast %reduce_max3A_5 : f32 to vector<1x512xf32>
    %sub3A_6 = arith.subf %get3A_1, %sub3A : vector<1x512xf32>
    %exp3A = math.exp %sub3A_6 : vector<1x512xf32>
    %reduce_sum3A = vector.shape_cast %exp3A : vector<1x512xf32> to vector<1x1x512xf32>
    %reduce_sum3A_7 = arith.constant dense<0.000000e+00> : vector<1xf32>
    %reduce_sum3A_8 = vector.multi_reduction <add>, %reduce_sum3A, %reduce_sum3A_7 [1, 2] : vector<1x1x512xf32> to vector<1xf32>
    %reduce_sum3A_9 = vector.shape_cast %reduce_sum3A_8 : vector<1xf32> to vector<1x1x1xf32>
    %reduce_sum3A_10 = vector.extract %reduce_sum3A_9[0, 0, 0] : f32 from vector<1x1x1xf32>
    %log3A = math.log %reduce_sum3A_10 : f32
    %add3A = arith.addf %log3A, %reduce_max3A_5 : f32
    %sub3A_11 = vector.broadcast %add3A : f32 to vector<1x512xf32>
    %sub3A_12 = arith.subf %get3A_1, %sub3A_11 : vector<1x512xf32>
    %mul3A = arith.mulf %get3A_1, %sub3A_12 : vector<1x512xf32>
    %reduce_sum3A_13 = vector.shape_cast %mul3A : vector<1x512xf32> to vector<1x1x512xf32>
    %reduce_sum3A_14 = arith.constant dense<0.000000e+00> : vector<1xf32>
    %reduce_sum3A_15 = vector.multi_reduction <add>, %reduce_sum3A_13, %reduce_sum3A_14 [1, 2] : vector<1x1x512xf32> to vector<1xf32>
    %reduce_sum3A_16 = vector.shape_cast %reduce_sum3A_15 : vector<1xf32> to vector<1x1x1xf32>
    %reduce_sum3A_17 = vector.extract %reduce_sum3A_16[0, 0, 0] : f32 from vector<1x1x1xf32>
    %neg3A = arith.constant 0.000000e+00 : f32
    %neg3A_18 = arith.subf %neg3A, %reduce_sum3A_17 : f32
    %broadcast_in_dim3A = vector.broadcast %neg3A_18 : f32 to vector<1x1xf32>
    %swap3A = arith.constant 0 : index
    %swap3A_19 = arith.constant 0 : index
    %swap3A_20 = vector.load %arg1[%swap3A, %swap3A_19] : memref<1x1xf32, #tpu.memory_space<vmem>>, vector<1x1xf32>
    tpu.vector_store %arg1[%swap3A, %swap3A_19], %broadcast_in_dim3A {strides = array<i32>} : memref<1x1xf32, #tpu.memory_space<vmem>>, vector<1x1xf32>,
    return
  }
}

</mosaic_0001>

<sc_bundles>
// kernel: kernel.5.cloned.1.call-start
scs
__scs_entry_jumppad:
0x0: {  	(pc) =	sbr.rel $0x88, $3  }
0x1: {  	(tag) =	ssettag $0x0;
	lr =	simm.s32 $0x1  }
0x2: {  	[smem:$0x3F9E] =	sst lr;
	_ =	strace $0xD0000000  }
0x3: {  	_ = 	snop  }
0x4: {  	_ = 	snop  }
0x5: {  	_ = 	snop  }
0x6: {  	_ = 	snop  }
0x7: {  	_ = 	snop  }
__scs_overlays_trampoline_lowered:
0x8: {  	[smem:$0x3FAD] =	sst s0  }
0x9: {  	[smem:$0x3FAE] =	sst s1  }
0xa: {  	[smem:$0x3FAF] =	sst s2  }
0xb: {  	[smem:$0x3FB0] =	sst s3  }
0xc: {  	[smem:$0x3FB1] =	sst s4  }
0xd: {  	[smem:$0x3FB2] =	sst s5  }
0xe: {  	[smem:$0x3FB3] =	sst s6  }
0xf: {  	[smem:$0x3FB4] =	sst s7  }
0x10: {  	[smem:$0x3FB5] =	sst s8  }
0x11: {  	[smem:$0x3FB6] =	sst s9;
	s0 =	simm.s32 @!p0 $0x0  }
0x12: {  	s1 =	sld [smem:$0x3F9C];
	s0 =	simm.s32 @p0 $0x1  }
0x13: {  	[smem:$0x3FB7] =	sst s0;
	s0 =	simm.s32 @!p1 $0x0  }
0x14: {  	s2 =	sld [smem:$0x3F9B];
	s0 =	simm.s32 @p1 $0x1  }
0x15: {  	[smem:$0x3FB8] =	sst s0;
	s0 =	simm.s32 @!p2 $0x0  }
0x16: {  	s3 =	sld [smem:$0x3FDB];
	s0 =	simm.s32 @p2 $0x1  }
0x17: {  	s4 =	simm.s32 $0x1BF5;
	[smem:$0x3FBA] =	sst s0  }
0x18: {  	s0 =	sld [smem:$0x3F9D];
	_ =	swait.ge [sflag:s4], $0x0  }
0x19: {  	s7 =	sld [smem:$0x3F9E]  }
0x1a: {  	s8 =	sadd.s32 $0xFFFFE003, lr  }
0x1b: {  	s9 =	sadd.s32 $0xFFFFFEF7, lr;
	s5 =	simm.s32 $0xFFFFFFFF;
	p2 =	slt.u32 s8, $0xFFFFF086  }
0x1c: {  	p1 =	slt.u32 s9, $0xF7A;
	s5 =	simm.s32 @!p2 $0x0  }
0x1d: {  	s5 =	simm.s32 @p1 $0x1;
	p0 =	seq.s32 s7, s2  }
0x1e: {  	s7 =	smul.u32 @!p0 $0xF7A, s2;
	p2 =	seq.s32 @!p0 s5, $0x0  }
0x1f: {  	s9 =	smul.u32 $0xF7A, s1;
	s8 =	simm.s32 @!p0 $0x1BF5;
	p2 =	por !p2, p0  }
0x20: {  	[sflag:s8] =	ssyncset.s32 @!p0 $0xFFFFF086;
	s6 =	sadd.s32 @!p0 s3, s7;
	s7 =	simm.s32 @!p0 $0x108  }
0x21: {  	s3 =	sadd.s32 s3, s9;
	s6 =	sadd.s32 @!p0 $0x88, s6;
	s7 =	simm.s32 @p2 $0x1082  }
0x22: {  	[simem:s7], [sflag:s8] =	dma.local @!p0 [hbm:s6], $0xF7A  }
0x23: {  	s9 =	sor.u32 $0xD0000000, s2;
	s6 =	simm.s32 $0x108;
	_ =	swait.ge @!p0 [sflag:s8], $0x0  }
0x24: {  	s3 =	sadd.s32 $0x88, s3;
	s6 =	simm.s32 @!p1 $0x1082;
	[sflag:s4] =	ssyncset.s32 $0xFFFFF086  }
0x25: {  	[simem:s6], [sflag:s4] =	dma.local [hbm:s3], $0xF7A  }
0x26: {  	[smem:$0x3F9E] =	sst s1;
	(tag) =	ssettag s2;
	_ =	strace s9  }
0x27: {  	s1 =	sld [smem:$0x3FAE]  }
0x28: {  	s2 =	sld [smem:$0x3FAF]  }
0x29: {  	s4 =	sld [smem:$0x3FB1]  }
0x2a: {  	p0 =	seq.s32 s5, $0x0;
	s5 =	sld [smem:$0x3FB2]  }
0x2b: {  	s6 =	sld [smem:$0x3FB3]  }
0x2c: {  	s7 =	sld [smem:$0x3FB4]  }
0x2d: {  	s3 =	simm.s32 $0x108;
	s8 =	sld [smem:$0x3FB5]  }
0x2e: {  	s3 =	simm.s32 @!p0 $0x1082;
	s9 =	sld [smem:$0x3FB6]  }
0x2f: {  	lr =	sadd.s32 s0, s3;
	s0 =	sld [smem:$0x3FAD]  }
0x30: {  	s3 =	sld [smem:$0x3FB0]  }
0x31: {  	[smem:$0x3FB9] =	sst s10  }
0x32: {  	s10 =	sld [smem:$0x3FB7];
	_ =	sdelay $0x3  }
0x33: {  	p0 =	seq.s32 s10, $0x1;
	s10 =	sld [smem:$0x3FB9];
	_ =	sdelay $0x3  }
0x34: {  	[smem:$0x3FB9] =	sst s10  }
0x35: {  	s10 =	sld [smem:$0x3FB8];
	_ =	sdelay $0x3  }
0x36: {  	p1 =	seq.s32 s10, $0x1;
	s10 =	sld [smem:$0x3FB9];
	_ =	sdelay $0x3  }
0x37: {  	[smem:$0x3FB9] =	sst s10  }
0x38: {  	s10 =	sld [smem:$0x3FBA]  }
0x39: {  	_ = 	snop;
	(pc) =	sbr.ind lr, $3  }
0x3a: {  	_ = 	snop  }
0x3b: {  	_ = 	snop  }
0x3c: {  	p2 =	seq.s32 s10, $0x1;
	s10 =	sld [smem:$0x3FB9]  }
0x3d: {  	_ =	shalt  }
0x3e: {  	_ =	shalt  }
0x3f: {  	_ =	shalt  }
0x40: {  	_ =	shalt  }
0x41: {  	_ =	shalt  }
0x42: {  	_ =	shalt  }
0x43: {  	_ =	shalt  }
0x44: {  	_ =	shalt  }
0x45: {  	_ =	shalt  }
0x46: {  	_ =	shalt  }
0x47: {  	_ =	shalt  }
0x48: {  	_ =	shalt  }
0x49: {  	_ =	shalt  }
0x4a: {  	_ =	shalt  }
0x4b: {  	_ =	shalt  }
0x4c: {  	_ =	shalt  }
0x4d: {  	_ =	shalt  }
0x4e: {  	_ =	shalt  }
0x4f: {  	_ =	shalt  }
0x50: {  	_ =	shalt  }
0x51: {  	_ =	shalt  }
0x52: {  	_ =	shalt  }
0x53: {  	_ =	shalt  }
0x54: {  	_ =	shalt  }
0x55: {  	_ =	shalt  }
0x56: {  	_ =	shalt  }
0x57: {  	_ =	shalt  }
0x58: {  	_ =	shalt  }
0x59: {  	_ =	shalt  }
0x5a: {  	_ =	shalt  }
0x5b: {  	_ =	shalt  }
0x5c: {  	_ =	shalt  }
0x5d: {  	_ =	shalt  }
0x5e: {  	_ =	shalt  }
0x5f: {  	_ =	shalt  }
0x60: {  	_ =	shalt  }
0x61: {  	_ =	shalt  }
0x62: {  	_ =	shalt  }
0x63: {  	_ =	shalt  }
0x64: {  	_ =	shalt  }
0x65: {  	_ =	shalt  }
0x66: {  	_ =	shalt  }
0x67: {  	_ =	shalt  }
0x68: {  	_ =	shalt  }
0x69: {  	_ =	shalt  }
0x6a: {  	_ =	shalt  }
0x6b: {  	_ =	shalt  }
0x6c: {  	_ =	shalt  }
0x6d: {  	_ =	shalt  }
0x6e: {  	_ =	shalt  }
0x6f: {  	_ =	shalt  }
0x70: {  	_ =	shalt  }
0x71: {  	_ =	shalt  }
0x72: {  	_ =	shalt  }
0x73: {  	_ =	shalt  }
0x74: {  	_ =	shalt  }
0x75: {  	_ =	shalt  }
0x76: {  	_ =	shalt  }
0x77: {  	_ =	shalt  }
0x78: {  	_ =	shalt  }
0x79: {  	_ =	shalt  }
0x7a: {  	_ =	shalt  }
0x7b: {  	_ =	shalt  }
0x7c: {  	_ =	shalt  }
0x7d: {  	_ =	shalt  }
0x7e: {  	_ =	shalt  }
0x7f: {  	_ =	shalt  }
0x80: {  	_ =	shalt  }
0x81: {  	_ =	shalt  }
0x82: {  	_ =	shalt  }
0x83: {  	_ =	shalt  }
0x84: {  	_ =	shalt  }
0x85: {  	_ =	shalt  }
0x86: {  	_ =	shalt  }
0x87: {  	_ =	shalt  }
.Lfunc_end0:
.L_simem_size_0:
called_computation_lowered:
.L_overlay_start_0:
0x88: {  	s2 =	sld [smem:$0x3FD9]  }
0x89: {  	s3 =	sld [smem:$0x3FFE];
	_ =	sdelay $0x1  }
0x8a: {  	s1 =	srdreg.scid  }
0x8b: {  	s0 =	sand.u32 $0x1, s1  }
0x8c: {  	s17 =	sshll.u32 s0, $0xA;
	s2 =	sadd.s32 s3, s2  }
0x8d: {  	s2 =	sadd.s32 s2, s17  }
0x8e: {  	[smem:$0x3FC5] =	sst s2  }
0x8f: {  	_ = 	snop  }
0x90: {  	s2 =	sld [smem:$0x3FC8]  }
0x91: {  	s18 =	sld [smem:$0x3FC7];
	(tm) =	ssettm $0x1  }
0x92: {  	s4 =	sld [smem:$0x3FFB];
	_ =	sdelay $0x3  }
0x93: {  	_ =	strace s4  }
0x94: {  	s4 =	sld [smem:$0x3FFC];
	_ =	sdelay $0x3  }
0x95: {  	_ =	strace s4  }
0x96: {  	s4 =	sld [smem:$0x3FFD];
	_ =	sdelay $0x3  }
0x97: {  	_ =	strace s4  }
0x98: {  	_ =	strace $0x8FFFFFFF  }
0x99: {  	s19 =	sld [smem:$0x3FDB];
	_ =	sdelay $0x1  }
0x9a: {  	s5 =	simm.s32 $_scs_section_size  }
0x9b: {  	s6 =	simm.s32 $_size__tile_overlayer_lowered;
	s7 =	simm.s32 $_tile_overlayer_lowered  }
0x9c: {  	s22 =	simm.s32 $0x1BFF;
	s21 =	sshll.u32 s7, $0x1;
	s4 =	sadd.s32 s5, s19  }
0x9d: {  	s8 =	simm.s32 $0x0;
	s20 =	sshll.u32 s6, $0x1;
	s6 =	sadd.s32 s21, s4  }
0x9e: {  	[timem:s8], [sflag:s22] =	dma.local [hbm:s6], s20  }
0x9f: {  	_ =	swait.ge [sflag:s22], s20  }
0xa0: {  	s5 =	ssub.s32 $0x0, s20;
	[sflag:s22] =	ssyncset.done $0x0  }
0xa1: {  	[sflag:s22] =	ssyncadd.s32 s5;
	_ =	sdelay $0x1  }
0xa2: {  	s23 =	simm.s32 $0x1B8B  }
0xa3: {  	_ =	swait.ge [sflag:s23], $0x1  }
0xa4: {  	[sflag:s23] =	ssyncset.done $0x0  }
0xa5: {  	s25 =	simm.s32 $0x1B8E;
	s24 =	sld [smem:$0x3FFE];
	[sflag:s23] =	ssyncadd.s32 $0xFFFFFFFF  }
0xa6: {  	s26 =	simm.s32 $execute0_lowered;
	[smem:$0x3FD2] =	sst s25  }
0xa7: {  	s6 =	sshll.u32 s26, $0x1;
	_ =	strace $0x80000046;
	[dreg:$0x1] =	wrdreg $0xFFFFFFFF  }
0xa8: {  	s28 =	simm.s32 $_size_execute0_lowered;
	s4 =	sadd.s32 s4, s6;
	[dreg:$0x0] =	wrdreg $0x0  }
0xa9: {  	s6 =	sshll.u32 s28, $0x1;
	[dreg:$0x2] =	wrdreg s4  }
0xaa: {  	[dreg:$0x3] =	wrdreg s6  }
0xab: {  	[dreg:$0x4] =	wrdreg $0xC0  }
0xac: {  	_ =	task [dreg:s8], $0x5FFFF  }
0xad: {  	[dreg:$0x1] =	wrdreg $0xFFFFFFFF  }
0xae: {  	[dreg:$0x0] =	wrdreg $0x60  }
0xaf: {  	[dreg:$0x2] =	wrdreg s18  }
0xb0: {  	[dreg:$0x3] =	wrdreg s2  }
0xb1: {  	[dreg:$0x4] =	wrdreg s24  }
0xb2: {  	[dreg:$0x5] =	wrdreg $0x9  }
0xb3: {  	_ =	task.clear_ibuf [dreg:s8], $0x6FFFF;
	_ =	strace $0x90000046  }
0xb4: {  	s29 =	simm.s32 $0x9;
	_ =	strace $0x80000048  }
0xb5: {  	_ =	swait.ge [sflag:s29], $0x1  }
0xb6: {  	[sflag:s29] =	ssyncadd.s32 $0xFFFFFFFF  }
0xb7: {  	_ =	strace $0x90000048  }
0xb8: {  	_ =	sfence  }
0xb9: {  	s30 =	sld [smem:$0x0];
	_ =	sdelay $0x2  }
0xba: {  	s31 =	sshll.u32 s1, $0xD;
	s1 =	sshrl.u32 s1, $0x2  }
0xbb: {  	s3 =	sand.u32 $0x4000, s31;
	s1 =	sadd.s32 s1, s30  }
0xbc: {  	s0 =	sor.u32 s3, s0;
	s1 =	sshll.u32 s1, $0x11  }
0xbd: {  	s0 =	sor.u32 s1, s0  }
0xbe: {  	s0 =	sadd.s32 $0x8F2B, s0  }
0xbf: {  	[sflag:s0] =	ssyncadd.remote.s32 $0x1  }
0xc0: {  	_ =	sfence.sel $0xFFFF  }
0xc1: {  	[dreg:$0x0] =	wrdreg $0xFFFFFFFF;
	(pc) =	sbr.abs _section_cstart, $3  }
0xc2: {  	[dreg:$0x1] =	wrdreg $0xFFFFFFFF  }
0xc3: {  	_ =	task.clear_ibuf [dreg:s8], $0x2FFFF;
	_ =	strace $0x9FFFFFFF  }
0xc4: {  	(tm) =	ssettm $0x7FFFFFFF  }
0xc5: {  	_ =	shalt  }
tec
execute0_lowered:
.L_overlay_start_1:
0x0: {  	(tag) =	ssettag $0x1  }
0x1: {  	s4 =	rddreg [dreg:$0x0]  }
0x2: {  	s2 =	rddreg [dreg:$0x1];
	s1 =	srdreg.scid  }
0x3: {  	s0 =	stileid.u32;
	s5 =	rddreg [dreg:$0x2];
	s12 =	simm.s32 $0x1  }
0x4: {  	s13 =	simm.s32 $0x80;
	s14 =	simm.s32 $0x400;
	s15 =	simm.s32 $0x0  }
0x5: {  	s8 =	sand.u32 $0x1, s1;
	s3 =	sshll.u32 s0, $0x1;
	s1 =	rddreg [dreg:$0x3]  }
0x6: {  	s6 =	sshrl.u32 s0, $0x2;
	s31 =	sshll.u32 s0, $0xC;
	s9 =	sor.u32 s8, s3  }
0x7: {  	s3 =	simm.s32 $0x0;
	s10 =	sshll.u32 s6, $0xC;
	s6 =	sshll.u32 s6, $0xA  }
0x8: {  	s29 =	ssub.s32 $0x2, s8;
	s8 =	sshll.u32 s8, $0xB;
	s7 =	sshll.u32 s9, $0x7  }
0x9: {  	[smem:$0x7FF] =	sst s3;
	s11 =	sshrl.u32 s29, $0x1;
	s30 =	sshll.u32 s9, $0x8  }
0xa: {  	s8 =	sor.u32 s8, s31;
	p0 =	sne.s32 s9, $0x0;
	s9 =	simm.s32 $0x2  }
0xb: {  	s7 =	sand.u32 $0x380, s7;
	_ =	strace $0x80000047;
	s4 =	sadd.s32 s4, s30  }
0xc: {  	v0 =	vlaneseq.u32;
	v8 =	vimm.s32 $0x0;
	s10 =	sor.u32 s10, s7;
	s6 =	sor.u32 s6, s7;
	s7 =	ssub.s32 s29, s11  }
0xd: {  	vm0 =	vmmov $0xf;
	v1 =	vor.u32 $0x10, v0;
	v2 =	vor.u32 $0x20, v0;
	s11 =	simm.s32 $0x800;
	s10 =	sshrl.u32 s10, $0x3;
	s6 =	sshrl.u32 s6, $0x3  }
0xe: {  	v3 =	vor.u32 $0x30, v0;
	v4 =	vor.u32 $0x40, v0;
	v5 =	vor.u32 $0x50, v0;
	s7 =	smax.u32 s7, $0x1;
	s10 =	sadd.s32 s10, s5;
	s5 =	sadd.s32 s6, s5  }
0xf: {  	v6 =	vor.u32 $0x60, v0;
	v7 =	vor.u32 $0x70, v0;
	v9 =	vmul.u32 $0x8, v0;
	s5 =	sadd.s32 $0x1600, s5;
	s6 =	sadd.s32 $0xE00, s10;
	s10 =	simm.s32 $0x900  }
.LBB2_1:
0x10: {  	[tilespmem:s3], [sflag:$0x2] =	stream.linear.gather [hbm4b:s4+s3], $0x800, $0x38;
	[tilespmem:$0xB00] =	vst v63  }
0x11: {  	_ =	swait.ge [sflag:s9], $0x800  }
0x12: {  	[sflag:s9] =	ssyncset.done $0x0  }
0x13: {  	[sflag:s9] =	ssyncadd.s32 $0xFFFFF800  }
0x14: {  	v10 =	vld @!p0 [tilespmem:$0x0];
	_ =	sdelay $0x2  }
0x15: {  	v11 =	vlaneseq.u32 @!p0  }
0x16: {  	vm1 =	veq.s32 @!p0 v11, $0x0  }
0x17: {  	v10 =	vsel @!p0 vm1, $0xFF800000, v10  }
0x18: {  	s17 =	simm.s32 $0x40;
	[tilespmem:$0x0] =	vst @!p0 v10  }
0x19: {  	v25 =	vimm.f32 $-Inf;
	v26 =	vimm.s32 $0xFFFFFFFF;
	v34 =	vld [tilespmem:s17+$0xFFFFFFC0]  }
0x1a: {  	v35 =	vimm.f32 $-Inf;
	v30 =	vimm.f32 $-Inf;
	v24 =	vimm.f32 $-Inf;
	v36 =	vld [tilespmem:s17+$0xFFFFFFD0]  }
0x1b: {  	v17 =	vimm.f32 $-Inf;
	v14 =	vimm.f32 $-Inf;
	v12 =	vimm.f32 $-Inf;
	v32 =	vld [tilespmem:s17+$0xFFFFFFE0]  }
0x1c: {  	v39 =	vimm.s32 $0xFFFFFFFF;
	v37 =	vimm.s32 $0xFFFFFFFF;
	v29 =	vimm.s32 $0xFFFFFFFF;
	v31 =	vld [tilespmem:s17+$0xFFFFFFF0]  }
0x1d: {  	s16 =	sadd.s32 $0x0, s8;
	v22 =	vimm.s32 $0xFFFFFFFF;
	v18 =	vimm.s32 $0xFFFFFFFF;
	v15 =	vimm.s32 $0xFFFFFFFF;
	v28 =	vld [tilespmem:s17+$0x0]  }
0x1e: {  	v40 =	vor.u32 s16, v0;
	v38 =	vor.u32 s16, v1;
	v33 =	vor.u32 s16, v2;
	v23 =	vld [tilespmem:s17+$0x10]  }
0x1f: {  	v27 =	vor.u32 s16, v3;
	v19 =	vor.u32 s16, v4;
	v16 =	vor.u32 s16, v5;
	v21 =	vld [tilespmem:s17+$0x20]  }
0x20: {  	s18 =	simm.s32 $0x80;
	v13 =	vor.u32 s16, v6;
	v11 =	vimm.s32 $0xFFFFFFFF;
	v10 =	vimm.f32 $-Inf;
	v20 =	vld [tilespmem:s17+$0x30]  }
.LBB2_2:
0x21: {  	p1 =	sne.s32 s18, $0x780;
	vm1 =	vge.f32 v34, v25;
	vm2 =	vge.f32 v36, v35;
	v41 =	vor.u32 s16, v7  }
0x22: {  	v25 =	vsel vm1, v34, v25;
	v26 =	vsel vm1, v40, v26;
	v35 =	vsel vm2, v36, v35  }
0x23: {  	vm3 =	vge.f32 v31, v24;
	s17 =	sadd.s32 $0x80, s17;
	vm1 =	vge.f32 v32, v30;
	vm4 =	vge.f32 v28, v17  }
0x24: {  	v24 =	vsel vm3, v31, v24;
	v30 =	vsel vm1, v32, v30;
	v17 =	vsel vm4, v28, v17;
	v34 =	vld [tilespmem:s17+$0xFFFFFFC0]  }
0x25: {  	vm5 =	vge.f32 v23, v14;
	vm6 =	vge.f32 v21, v12;
	v36 =	vld [tilespmem:s17+$0xFFFFFFD0];
	vm7 =	vge.f32 v20, v10  }
0x26: {  	v14 =	vsel vm5, v23, v14;
	v12 =	vsel vm6, v21, v12;
	v32 =	vld [tilespmem:s17+$0xFFFFFFE0];
	v10 =	vsel vm7, v20, v10  }
.Ltmp0:
0x27: {  	v39 =	vsel vm2, v38, v39;
	v29 =	vsel vm3, v27, v29;
	v37 =	vsel vm1, v33, v37;
	v31 =	vld [tilespmem:s17+$0xFFFFFFF0];
	(pc) =	sbr.rel @p1 .LBB2_2-.Ltmp0, $4  }
0x28: {  	s16 =	sadd.s32 s18, s8;
	v22 =	vsel vm4, v19, v22;
	v18 =	vsel vm5, v16, v18;
	v15 =	vsel vm6, v13, v15;
	v28 =	vld [tilespmem:s17+$0x0]  }
0x29: {  	v40 =	vor.u32 s16, v0;
	v11 =	vsel vm7, v41, v11;
	v23 =	vld [tilespmem:s17+$0x10]  }
0x2a: {  	v38 =	vor.u32 s16, v1;
	v27 =	vor.u32 s16, v3;
	v33 =	vor.u32 s16, v2;
	v21 =	vld [tilespmem:s17+$0x20]  }
0x2b: {  	s18 =	sadd.s32 $0x80, s18;
	v19 =	vor.u32 s16, v4;
	v16 =	vor.u32 s16, v5;
	v13 =	vor.u32 s16, v6;
	v20 =	vld [tilespmem:s17+$0x30]  }
0x2c: {  	vm1 =	vge.f32 v34, v25  }
0x2d: {  	vm2 =	vge.f32 v36, v35;
	v25 =	vsel vm1, v34, v25  }
0x2e: {  	v26 =	vsel vm1, v40, v26;
	v55 =	vsel vm2, v36, v35;
	v56 =	vsel vm2, v38, v39  }
0x2f: {  	vm1 =	veq.f32 v55, v25;
	vm2 =	vgt.s32 v56, v26  }
0x30: {  	vm3 =	vge.f32 v32, v30;
	vm4 =	vgt.f32 v55, v25;
	vm1 =	vmand vm1, vm2  }
0x31: {  	v30 =	vsel vm3, v32, v30;
	vm1 =	vmor vm4, vm1  }
0x32: {  	v57 =	vsel vm3, v33, v37;
	v25 =	vsel vm1, v55, v25;
	v26 =	vsel vm1, v56, v26  }
0x33: {  	vm1 =	veq.f32 v30, v25;
	vm2 =	vgt.s32 v57, v26  }
0x34: {  	vm3 =	vge.f32 v31, v24;
	vm11 =	vgt.f32 v30, v25;
	vm1 =	vmand vm1, vm2  }
0x35: {  	v24 =	vsel vm3, v31, v24;
	vm1 =	vmor vm11, vm1  }
0x36: {  	v27 =	vsel vm3, v27, v29;
	v25 =	vsel vm1, v30, v25;
	v26 =	vsel vm1, v57, v26  }
0x37: {  	vm1 =	veq.f32 v24, v25;
	vm2 =	vgt.s32 v27, v26  }
0x38: {  	vm3 =	vge.f32 v28, v17;
	vm12 =	vgt.f32 v24, v25;
	vm1 =	vmand vm1, vm2  }
0x39: {  	v17 =	vsel vm3, v28, v17;
	vm1 =	vmor vm12, vm1  }
0x3a: {  	v19 =	vsel vm3, v19, v22;
	v58 =	vsel vm1, v24, v25;
	v59 =	vsel vm1, v27, v26  }
0x3b: {  	vm1 =	veq.f32 v17, v58;
	vm2 =	vgt.s32 v19, v59  }
0x3c: {  	vm3 =	vge.f32 v23, v14;
	vm13 =	vgt.f32 v17, v58;
	vm1 =	vmand vm1, vm2  }
0x3d: {  	v14 =	vsel vm3, v23, v14;
	vm1 =	vmor vm13, vm1  }
0x3e: {  	v16 =	vsel vm3, v16, v18;
	v17 =	vsel vm1, v17, v58;
	v60 =	vsel vm1, v19, v59  }
0x3f: {  	vm1 =	veq.f32 v14, v17;
	vm2 =	vgt.s32 v16, v60  }
0x40: {  	vm3 =	vge.f32 v21, v12;
	vm14 =	vgt.f32 v14, v17;
	vm1 =	vmand vm1, vm2  }
0x41: {  	v12 =	vsel vm3, v21, v12;
	vm1 =	vmor vm14, vm1  }
0x42: {  	v13 =	vsel vm3, v13, v15;
	v14 =	vsel vm1, v14, v17;
	v61 =	vsel vm1, v16, v60  }
0x43: {  	vm1 =	veq.f32 v12, v14;
	vm2 =	vgt.s32 v13, v61  }
0x44: {  	vm3 =	vge.f32 v20, v10;
	vm15 =	vgt.f32 v12, v14;
	vm1 =	vmand vm1, vm2  }
0x45: {  	v62 =	vor.u32 s16, v7;
	v10 =	vsel vm3, v20, v10;
	vm1 =	vmor vm15, vm1  }
0x46: {  	v16 =	vsel vm3, v62, v11;
	v11 =	vsel vm1, v12, v14;
	v63 =	vsel vm1, v13, v61  }
0x47: {  	vm1 =	veq.f32 v10, v11;
	vm2 =	vgt.s32 v16, v63  }
0x48: {  	vm3 =	vgt.f32 v10, v11;
	vm1 =	vmand vm1, vm2  }
0x49: {  	vm1 =	vmor vm3, vm1  }
0x4a: {  	v11 =	vsel vm1, v10, v11  }
0x4b: {  	v10 =	vsel vm1, v16, v63;
	(v2sf) =	vpush v11, $0x0  }
0x4c: {  	(v2sf) =	vpush v10, $0x0;
	_ =	sdelay $0x1  }
0x4d: {  	(v2sf) =	vpush v11, $0x1  }
0x4e: {  	(v2sf) =	vpush v10, $0x1;
	_ =	sdelay $0x4  }
0x4f: {  	(v2sf) =	vpush v11, $0x2  }
0x50: {  	(v2sf) =	vpush v10, $0x2;
	_ =	sdelay $0x4  }
0x51: {  	s16 =	spop (v2sf);
	(v2sf) =	vpush v11, $0x3  }
0x52: {  	s17 =	spop (v2sf);
	(v2sf) =	vpush v10, $0x3;
	_ =	sdelay $0x1  }
0x53: {  	s18 =	spop (v2sf)  }
0x54: {  	s19 =	spop (v2sf);
	p1 =	seq.f32 s18, s16  }
0x55: {  	p2 =	sgt.s32 s19, s17  }
0x56: {  	(v2sf) =	vpush v11, $0x4;
	p3 =	sgt.f32 s18, s16;
	p1 =	por !p1, !p2  }
0x57: {  	p1 =	por !p1, !p1  }
0x58: {  	p1 =	por p3, p1  }
0x59: {  	(v2sf) =	vpush v10, $0x4;
	s16 =	smov.u32 @p1 s18;
	s18 =	spop (v2sf)  }
0x5a: {  	s17 =	smov.u32 @p1 s19;
	s19 =	spop (v2sf);
	p4 =	seq.f32 s18, s16  }
0x5b: {  	p5 =	sgt.s32 s19, s17  }
0x5c: {  	p6 =	sgt.f32 s18, s16;
	p1 =	por !p4, !p5  }
0x5d: {  	p1 =	por !p1, !p1  }
0x5e: {  	(v2sf) =	vpush v11, $0x5;
	p1 =	por p6, p1  }
0x5f: {  	s16 =	smov.u32 @p1 s18;
	s18 =	spop (v2sf);
	(v2sf) =	vpush v10, $0x5  }
0x60: {  	s17 =	smov.u32 @p1 s19;
	s19 =	spop (v2sf);
	p4 =	seq.f32 s18, s16  }
0x61: {  	p5 =	sgt.s32 s19, s17  }
0x62: {  	p6 =	sgt.f32 s18, s16;
	p1 =	por !p4, !p5  }
0x63: {  	p1 =	por !p1, !p1  }
0x64: {  	(v2sf) =	vpush v11, $0x6;
	p1 =	por p6, p1  }
0x65: {  	s16 =	smov.u32 @p1 s18;
	s18 =	spop (v2sf);
	(v2sf) =	vpush v10, $0x6;
	_ =	sdelay $0x2  }
0x66: {  	s17 =	smov.u32 @p1 s19;
	s19 =	spop (v2sf);
	p4 =	seq.f32 s18, s16  }
0x67: {  	p5 =	sgt.s32 s19, s17  }
0x68: {  	p6 =	sgt.f32 s18, s16;
	(v2sf) =	vpush v11, $0x7;
	p1 =	por !p4, !p5  }
0x69: {  	p1 =	por !p1, !p1  }
0x6a: {  	p1 =	por p6, p1  }
0x6b: {  	s16 =	smov.u32 @p1 s18;
	s18 =	spop (v2sf);
	(v2sf) =	vpush v10, $0x7  }
0x6c: {  	s17 =	smov.u32 @p1 s19;
	p4 =	seq.f32 s18, s16;
	s19 =	spop (v2sf)  }
0x6d: {  	p5 =	sgt.s32 s19, s17  }
0x6e: {  	p6 =	sgt.f32 s18, s16;
	p1 =	por !p4, !p5  }
0x6f: {  	p1 =	por !p1, !p1  }
0x70: {  	(v2sf) =	vpush v11, $0x8;
	p1 =	por p6, p1  }
0x71: {  	s16 =	smov.u32 @p1 s18;
	s18 =	spop (v2sf);
	(v2sf) =	vpush v10, $0x8  }
0x72: {  	s17 =	smov.u32 @p1 s19;
	s19 =	spop (v2sf);
	p4 =	seq.f32 s18, s16  }
0x73: {  	p5 =	sgt.s32 s19, s17  }
0x74: {  	p6 =	sgt.f32 s18, s16;
	p1 =	por !p4, !p5  }
0x75: {  	p1 =	por !p1, !p1  }
0x76: {  	(v2sf) =	vpush v11, $0x9;
	p1 =	por p6, p1  }
0x77: {  	s16 =	smov.u32 @p1 s18;
	s18 =	spop (v2sf);
	(v2sf) =	vpush v10, $0x9;
	_ =	sdelay $0x2  }
0x78: {  	s17 =	smov.u32 @p1 s19;
	s19 =	spop (v2sf);
	p4 =	seq.f32 s18, s16  }
0x79: {  	p5 =	sgt.s32 s19, s17  }
0x7a: {  	p6 =	sgt.f32 s18, s16;
	(v2sf) =	vpush v11, $0xA;
	p1 =	por !p4, !p5  }
0x7b: {  	p1 =	por !p1, !p1  }
0x7c: {  	p1 =	por p6, p1  }
0x7d: {  	s16 =	smov.u32 @p1 s18;
	s18 =	spop (v2sf);
	(v2sf) =	vpush v10, $0xA  }
0x7e: {  	s17 =	smov.u32 @p1 s19;
	p4 =	seq.f32 s18, s16;
	s19 =	spop (v2sf)  }
0x7f: {  	p5 =	sgt.s32 s19, s17  }
0x80: {  	p6 =	sgt.f32 s18, s16;
	p1 =	por !p4, !p5  }
0x81: {  	p1 =	por !p1, !p1  }
0x82: {  	(v2sf) =	vpush v11, $0xB;
	p1 =	por p6, p1  }
0x83: {  	s16 =	smov.u32 @p1 s18;
	s18 =	spop (v2sf);
	(v2sf) =	vpush v10, $0xB  }
0x84: {  	s17 =	smov.u32 @p1 s19;
	s19 =	spop (v2sf);
	p4 =	seq.f32 s18, s16  }
0x85: {  	p5 =	sgt.s32 s19, s17  }
0x86: {  	p6 =	sgt.f32 s18, s16;
	p1 =	por !p4, !p5  }
0x87: {  	p1 =	por !p1, !p1  }
0x88: {  	(v2sf) =	vpush v11, $0xC;
	p1 =	por p6, p1  }
0x89: {  	s16 =	smov.u32 @p1 s18;
	s18 =	spop (v2sf);
	(v2sf) =	vpush v10, $0xC;
	_ =	sdelay $0x2  }
0x8a: {  	s17 =	smov.u32 @p1 s19;
	s19 =	spop (v2sf);
	p4 =	seq.f32 s18, s16  }
0x8b: {  	p5 =	sgt.s32 s19, s17  }
0x8c: {  	p6 =	sgt.f32 s18, s16;
	(v2sf) =	vpush v11, $0xD;
	p1 =	por !p4, !p5  }
0x8d: {  	p1 =	por !p1, !p1  }
0x8e: {  	p1 =	por p6, p1  }
0x8f: {  	s16 =	smov.u32 @p1 s18;
	s18 =	spop (v2sf);
	(v2sf) =	vpush v10, $0xD  }
0x90: {  	s17 =	smov.u32 @p1 s19;
	p4 =	seq.f32 s18, s16;
	s19 =	spop (v2sf)  }
0x91: {  	p5 =	sgt.s32 s19, s17  }
0x92: {  	p6 =	sgt.f32 s18, s16;
	p1 =	por !p4, !p5  }
0x93: {  	p1 =	por !p1, !p1  }
0x94: {  	(v2sf) =	vpush v11, $0xE;
	p1 =	por p6, p1  }
0x95: {  	s16 =	smov.u32 @p1 s18;
	s18 =	spop (v2sf);
	(v2sf) =	vpush v10, $0xE  }
0x96: {  	s17 =	smov.u32 @p1 s19;
	s19 =	spop (v2sf);
	p4 =	seq.f32 s18, s16  }
0x97: {  	p5 =	sgt.s32 s19, s17  }
0x98: {  	p6 =	sgt.f32 s18, s16;
	p1 =	por !p4, !p5  }
0x99: {  	p1 =	por !p1, !p1  }
0x9a: {  	(v2sf) =	vpush v11, $0xF;
	p1 =	por p6, p1  }
0x9b: {  	s16 =	smov.u32 @p1 s18;
	s18 =	spop (v2sf);
	(v2sf) =	vpush v10, $0xF;
	_ =	sdelay $0x2  }
0x9c: {  	s17 =	smov.u32 @p1 s19;
	s19 =	spop (v2sf);
	p4 =	seq.f32 s18, s16  }
0x9d: {  	p5 =	sgt.s32 s19, s17  }
0x9e: {  	p6 =	sgt.f32 s18, s16;
	p1 =	por !p4, !p5  }
0x9f: {  	p1 =	por !p1, !p1  }
0xa0: {  	p1 =	por p6, p1  }
0xa1: {  	s16 =	smov.u32 @p1 s18;
	s18 =	spop (v2sf)  }
0xa2: {  	s17 =	smov.u32 @p1 s19;
	p4 =	seq.f32 s18, s16;
	s19 =	spop (v2sf)  }
0xa3: {  	p5 =	sgt.s32 s19, s17  }
0xa4: {  	p6 =	sgt.f32 s18, s16;
	p1 =	por !p4, !p5  }
0xa5: {  	p1 =	por !p1, !p1  }
0xa6: {  	p1 =	por p6, p1  }
0xa7: {  	s16 =	smov.u32 @p1 s18;
	s18 =	spop (v2sf)  }
0xa8: {  	s17 =	smov.u32 @p1 s19;
	s19 =	spop (v2sf);
	p4 =	seq.f32 s18, s16  }
0xa9: {  	p5 =	sgt.s32 s19, s17  }
0xaa: {  	p6 =	sgt.f32 s18, s16;
	p1 =	por !p4, !p5  }
0xab: {  	p1 =	por !p1, !p1  }
0xac: {  	p1 =	por p6, p1  }
0xad: {  	s17 =	smov.u32 @p1 s19  }
0xae: {  	v10 =	vmov s17  }
0xaf: {  	[tilespmem:$0x880] =	vst v10  }
0xb0: {  	v10 =	vld.msk [tilespmem:$0x880], $0x1;
	_ =	sdelay $0x4  }
0xb1: {  	v11 =	vshll.u32 v10, $0x2  }
0xb2: {  	v10 =	vand.u32 $0x7, v10;
	v11 =	vand.u32 $0xFFFFFFE0, v11  }
0xb3: {  	v10 =	vor.u32 v10, v11  }
0xb4: {  	v10 =	vperm.xlane v10, v8;
	_ =	sdelay $0x1  }
0xb5: {  	v10 =	vadd.s32 v9, v10;
	_ =	sdelay $0x3  }
0xb6: {  	s16 =	smov.u32 @p1 s18  }
0xb7: {  	[tilespmem:s10], [sflag:$0x1] =	stream.indirect_vreg.gather [hbm4b:s2+s3], $0x80, v10, vm0, $0xb8;
	v10 =	vmov s16;
	[tilespmem:$0xB00] =	vst v63  }
0xb8: {  	[tilespmem:$0x800] =	vst v10  }
0xb9: {  	[hbm4b:s5+s3] =	stream.linear.scatter [tilespmem:s11], [sflag:$0x2], $0x80, $0x38;
	[tilespmem:$0xB00] =	vst v63  }
0xba: {  	_ =	swait.ge [sflag:s9], $0x80  }
0xbb: {  	[sflag:s9] =	ssyncset.done $0x0  }
0xbc: {  	[sflag:s9] =	ssyncadd.s32 $0xFFFFFF80  }
0xbd: {  	s15 =	sadd.s32 $0x1, s15;
	_ =	swait.ge [sflag:s12], $0x200  }
0xbe: {  	p1 =	sne.s32 s15, s7;
	[sflag:s12] =	ssyncset.done $0x0  }
.Ltmp1:
0xbf: {  	[sflag:s12] =	ssyncadd.s32 $0xFFFFFE00;
	(pc) =	sbr.rel @p1 .LBB2_1-.Ltmp1, $4  }
0xc0: {  	[hbm4b:s6+s13] =	stream.strided.scatter [tilespmem:s10], [sflag:$0x2], $0x200, s14, s13, $0x38;
	[tilespmem:$0xB00] =	vst v63  }
0xc1: {  	_ =	swait.ge [sflag:s9], $0x200  }
0xc2: {  	[sflag:s9] =	ssyncset.done $0x0  }
0xc3: {  	[sflag:s9] =	ssyncadd.s32 $0xFFFFFE00  }
0xc4: {  	_ =	sfence.sel $0x180000  }
0xc5: {  	[bflag:$0x0] =	sbarrier.arrive $0xFFFF  }
0xc6: {  	p0 =	sne.s32 s0, $0x0;
	_ =	strace $0x90000047  }
0xc7: {  	s0 =	sadd.s32 @!p0 $0x100000, s1;
	[bflag:$0x2] =	sbarrier.arrive $0xFFFF  }
0xc8: {  	[sflag:s0] =	ssyncadd.tile.s32 @!p0 $0x1;
	_ =	shalt  }
.Lfunc_end2:
_tile_overlayer_lowered:
.L_overlay_start_2:
0xc9: {  	(tag) =	ssettag $0x2  }
0xca: {  	s0 =	rddreg [dreg:$0x0];
	s2 =	stileid.u32  }
0xcb: {  	s1 =	rddreg [dreg:$0x1];
	p0 =	sne.s32 s2, $0x0  }
0xcc: {  	s3 =	rddreg [dreg:$0x2];
	[bflag:$0x3] =	sbarrier.arrive $0xFFFF;
	s2 =	simm.s32 @!p0 $0x1C02  }
0xcd: {  	[timem:s3], [sflag:s2] =	dma.local @!p0 [hbm:s0], s1  }
0xce: {  	s0 =	simm.s32 @!p0 $0x2  }
0xcf: {  	_ =	swait.ge @!p0 [sflag:s0], s1  }
0xd0: {  	s1 =	ssub.s32 @!p0 $0x0, s1;
	[sflag:s0] =	ssyncset.done @!p0 $0x0  }
0xd1: {  	[sflag:s0] =	ssyncadd.s32 @!p0 s1  }
0xd2: {  	[bflag:$0x3] =	sbarrier.arrive $0xFFFF  }
0xd3: {  	_ =	shalt  }

</sc_bundles>
